<compile_context>
chip_gen: v7x
topology: tpu7x:2x2x1
jax: 0.10.2.dev20260603
libtpu: 0.0.44.dev20260713+nightly
codegen_flags: <defaults>
</compile_context>

<pallas_src>
import functools

import jax
import jax.numpy as jnp
from jax import lax
from jax.experimental import pallas as pl
from jax.experimental.pallas import tpu as pltpu
from jax.experimental.pallas import tpu_sc as plsc

NU = 10000
NI = 10000
E = 320000
D = 128
H = 128
O = 64

NC = 2
NS = 16
NW = NC * NS
CHF = 80
EPW = E // NW
NIT = EPW // CHF
CHD = 100
EPT = E // NS
DNIT = EPT // CHD
DK = 8
NP = 10240
RPT = NP // NS
RB = 1000


def _proj(x, w, b):
    def body(x_ref, w_ref, b_ref, o_ref):
        o_ref[...] = lax.dot_general(
            x_ref[...], w_ref[...], (((1,), (1,)), ((), ())),
            preferred_element_type=jnp.float32) + b_ref[...]

    return pl.pallas_call(
        body,
        grid=(NI // RB,),
        in_specs=[pl.BlockSpec((RB, D), lambda i: (i, 0)),
                  pl.BlockSpec((H, D), lambda i: (0, 0)),
                  pl.BlockSpec((1, H), lambda i: (0, 0))],
        out_specs=pl.BlockSpec((RB, H), lambda i: (i, 0)),
        out_shape=jax.ShapeDtypeStruct((NI, H), jnp.float32),
    )(x, w, b)


def _mid(acc, deg, w, b):
    def body(a_ref, d_ref, w_ref, b_ref, o_ref):
        p = a_ref[0] + a_ref[1]
        dg = d_ref[...]
        mean = p / jnp.maximum(dg, 1.0)
        h = lax.dot_general(mean, w_ref[...], (((1,), (1,)), ((), ())),
                            preferred_element_type=jnp.float32) + b_ref[...]
        h = jnp.where(dg > 0, h, 0.0)
        o_ref[...] = jnp.where(h >= 0, h, 0.01 * h)

    return pl.pallas_call(
        body,
        grid=(NU // RB,),
        in_specs=[pl.BlockSpec((2, RB, H), lambda i: (0, i, 0)),
                  pl.BlockSpec((RB, 1), lambda i: (i, 0)),
                  pl.BlockSpec((H, H), lambda i: (0, 0)),
                  pl.BlockSpec((1, H), lambda i: (0, 0))],
        out_specs=pl.BlockSpec((RB, H), lambda i: (i, 0)),
        out_shape=jax.ShapeDtypeStruct((NU, H), jnp.float32),
    )(acc, deg, w, b)


def _final(acc, deg, w1, b1, wo, bo):
    def body(a_ref, d_ref, w1_ref, b1_ref, wo_ref, bo_ref, o_ref):
        p = a_ref[0] + a_ref[1]
        dg = d_ref[...]
        mean = p / jnp.maximum(dg, 1.0)
        h = lax.dot_general(mean, w1_ref[...], (((1,), (1,)), ((), ())),
                            preferred_element_type=jnp.float32) + b1_ref[...]
        h = jnp.where(dg > 0, h, 0.0)
        o_ref[...] = lax.dot_general(h, wo_ref[...], (((1,), (1,)), ((), ())),
                                     preferred_element_type=jnp.float32) + bo_ref[...]

    return pl.pallas_call(
        body,
        grid=(NI // RB,),
        in_specs=[pl.BlockSpec((2, RB, H), lambda i: (0, i, 0)),
                  pl.BlockSpec((RB, 1), lambda i: (i, 0)),
                  pl.BlockSpec((H, H), lambda i: (0, 0)),
                  pl.BlockSpec((1, H), lambda i: (0, 0)),
                  pl.BlockSpec((O, H), lambda i: (0, 0)),
                  pl.BlockSpec((1, O), lambda i: (0, 0))],
        out_specs=pl.BlockSpec((RB, O), lambda i: (i, 0)),
        out_shape=jax.ShapeDtypeStruct((NI, O), jnp.float32),
    )(acc, deg, w1, b1, wo, bo)


def _make_deg():
    mesh = plsc.VectorSubcoreMesh(core_axis_name="c", subcore_axis_name="s")

    @functools.partial(
        pl.kernel,
        mesh=mesh,
        out_type=jax.ShapeDtypeStruct((NC, NP, H), jnp.float32),
        scratch_types=[
            pltpu.VMEM((DNIT, CHD), jnp.int32),
            pltpu.VMEM((CHD, H), jnp.float32),
            pltpu.VMEM_SHARED((NP, H), jnp.float32),
            pltpu.SemaphoreType.DMA,
        ],
    )
    def deg(dst2_hbm, ones_hbm, zero_hbm, out_hbm,
            dst_v, ones_v, acc_sh, sem):
        cid = lax.axis_index("c")
        sid = lax.axis_index("s")
        w = cid * NS + sid
        pltpu.sync_copy(zero_hbm.at[pl.ds(sid * RPT, RPT)],
                        acc_sh.at[pl.ds(sid * RPT, RPT)])
        pltpu.sync_copy(ones_hbm, ones_v)
        pltpu.sync_copy(dst2_hbm.at[pl.ds(w * DNIT, DNIT)], dst_v)
        plsc.subcore_barrier()

        def body(g2, carry):
            descs = []
            for b in range(DK):
                g = g2 * DK + b
                descs.append(pltpu.async_copy(
                    ones_v, acc_sh.at[dst_v.at[g]], sem, add=True))
            for d in descs:
                d.wait()
            return carry

        lax.fori_loop(0, DNIT // DK, body, 0)
        plsc.subcore_barrier()
        pltpu.sync_copy(acc_sh.at[pl.ds(sid * RPT, RPT)],
                        out_hbm.at[cid, pl.ds(sid * RPT, RPT)])

    return deg


def _make_segsum():
    mesh = plsc.VectorSubcoreMesh(core_axis_name="c", subcore_axis_name="s")
    NQ = 4

    @functools.partial(
        pl.kernel,
        mesh=mesh,
        out_type=jax.ShapeDtypeStruct((NC, NP, H), jnp.float32),
        scratch_types=[
            [pltpu.VMEM((CHF,), jnp.int32)] * NQ,
            [pltpu.VMEM((CHF,), jnp.int32)] * NQ,
            [pltpu.VMEM((CHF, H), jnp.float32)] * 2,
            pltpu.VMEM_SHARED((NP, H), jnp.float32),
            [pltpu.SemaphoreType.DMA] * NQ,
            [pltpu.SemaphoreType.DMA] * NQ,
            [pltpu.SemaphoreType.DMA] * 2,
        ],
    )
    def seg(table_hbm, src_hbm, dst_hbm, zero_hbm, out_hbm,
            src_q, dst_q, rows, acc_sh, isems, idems, gsem):
        cid = lax.axis_index("c")
        sid = lax.axis_index("s")
        wid = sid * NC + cid
        base = wid * EPW
        pltpu.sync_copy(zero_hbm.at[pl.ds(sid * RPT, RPT)],
                        acc_sh.at[pl.ds(sid * RPT, RPT)])
        plsc.subcore_barrier()

        def fire_idx(g, q):
            pltpu.async_copy(src_hbm.at[pl.ds(base + g * CHF, CHF)],
                             src_q[q], isems[q])
            pltpu.async_copy(dst_hbm.at[pl.ds(base + g * CHF, CHF)],
                             dst_q[q], idems[q])

        def wait_src(q):
            pltpu.make_async_copy(src_hbm.at[pl.ds(0, CHF)],
                                  src_q[q], isems[q]).wait()

        def wait_dst(q):
            pltpu.make_async_copy(dst_hbm.at[pl.ds(0, CHF)],
                                  dst_q[q], idems[q]).wait()

        def fire_gather(q, b):
            pltpu.async_copy(table_hbm.at[src_q[q]], rows[b], gsem[b])

        def wait_gather(b):
            pltpu.make_async_copy(table_hbm.at[src_q[0]],
                                  rows[b], gsem[b]).wait()

        for q in range(NQ):
            fire_idx(q, q)
        for j in range(2):
            wait_src(j)
            fire_gather(j, j)

        def body(g2, carry):
            for j in range(NQ):
                g = g2 * NQ + j
                b = j % 2
                wait_gather(b)
                wait_dst(j)
                pltpu.sync_copy(rows[b], acc_sh.at[dst_q[j]], add=True)
                nx4 = g + NQ

                @pl.when(nx4 < NIT)
                def _():
                    fire_idx(nx4, j)
                nx2 = g + 2

                @pl.when(nx2 < NIT)
                def _():
                    wait_src((j + 2) % NQ)
                    fire_gather((j + 2) % NQ, b)
            return carry

        lax.fori_loop(0, NIT // NQ, body, 0)
        wait_gather(0)
        wait_dst(0)
        pltpu.sync_copy(rows[0], acc_sh.at[dst_q[0]], add=True)
        plsc.subcore_barrier()
        pltpu.sync_copy(acc_sh.at[pl.ds(sid * RPT, RPT)],
                        out_hbm.at[cid, pl.ds(sid * RPT, RPT)])

    return seg


_deg_pass = _make_deg()
_segsum_u = _make_segsum()
_segsum_i = _make_segsum()


def kernel(x_user, x_item, edge_index_clicks, edge_index_clicked_by,
           Wp_user, bp_user, Wp_item, bp_item,
           W0_c, b0_c, W0_cb, b0_cb,
           W1_c, b1_c, W1_cb, b1_cb,
           W_out, b_out):
    src_c = edge_index_clicks[0].astype(jnp.int32)
    dst_c = edge_index_clicks[1].astype(jnp.int32)
    src_b = edge_index_clicked_by[0].astype(jnp.int32)
    dst_b = edge_index_clicked_by[1].astype(jnp.int32)
    zeros = jnp.zeros((NP, H), jnp.float32)
    ones = jnp.ones((CHD, H), jnp.float32)

    dst2 = jnp.concatenate([dst_b, dst_c]).reshape(NC * NS * DNIT, CHD)
    degf = _deg_pass(dst2, ones, zeros)
    deg_b = degf[0, :, 0:1]
    deg_c = degf[1, :, 0:1]

    hi = _proj(x_item, Wp_item, bp_item.reshape(1, H))
    acc_b = _segsum_u(hi, src_b, dst_b, zeros)
    hu1 = _mid(acc_b, deg_b, W0_cb, b0_cb.reshape(1, H))
    acc_c = _segsum_i(hu1, src_c, dst_c, zeros)
    return _final(acc_c, deg_c, W1_c, b1_c.reshape(1, H),
                  W_out, b_out.reshape(1, O))

# --- scband reference (transcript-rebuilt; emitter-appended) ---
"""Pipeline reference for scband-hetero-rgcn-31610959298704 (READ-ONLY COPY).

The authoritative reference and input builder live on the scoring server;
editing this copy changes nothing except your own understanding.
"""

import jax, jax.numpy as jnp
import numpy as np

NU = 10000
NI = 10000
E = 320000
D = 128
H = 128
O = 64


def seg_mean(msgs, dst, n):
    s = jnp.zeros((n, msgs.shape[1]), msgs.dtype).at[dst].add(msgs)
    d = jnp.zeros((n,), msgs.dtype).at[dst].add(1.0)
    return s / jnp.maximum(d, 1.0)[:, None]


def setup_inputs(seed: int = 0):
    key = jax.random.key(seed)
    ks = jax.random.split(key, 24)
    inp = {}
    inp['x_user'] = jax.random.normal(ks[0], (NU, D), dtype=jnp.float32)
    inp['x_item'] = jax.random.normal(ks[1], (NI, D), dtype=jnp.float32)
    inp['edge_index_clicks'] = jax.random.randint(ks[2], (2, E), 0, NI, dtype=jnp.int64 if jax.config.jax_enable_x64 else jnp.int32)
    inp['edge_index_clicked_by'] = jax.random.randint(ks[3], (2, E), 0, NU, dtype=jnp.int64 if jax.config.jax_enable_x64 else jnp.int32)
    # input projections per ntype
    inp['Wp_user'] = jax.random.normal(ks[4], (H, D), dtype=jnp.float32) * 0.05
    inp['bp_user'] = jnp.zeros((H,), dtype=jnp.float32)
    inp['Wp_item'] = jax.random.normal(ks[5], (H, D), dtype=jnp.float32) * 0.05
    inp['bp_item'] = jnp.zeros((H,), dtype=jnp.float32)
    # layer 0 per-etype linears
    inp['W0_c'] = jax.random.normal(ks[6], (H, H), dtype=jnp.float32) * 0.05
    inp['b0_c'] = jnp.zeros((H,), dtype=jnp.float32)
    inp['W0_cb'] = jax.random.normal(ks[7], (H, H), dtype=jnp.float32) * 0.05
    inp['b0_cb'] = jnp.zeros((H,), dtype=jnp.float32)
    # layer 1 per-etype linears
    inp['W1_c'] = jax.random.normal(ks[8], (H, H), dtype=jnp.float32) * 0.05
    inp['b1_c'] = jnp.zeros((H,), dtype=jnp.float32)
    inp['W1_cb'] = jax.random.normal(ks[9], (H, H), dtype=jnp.float32) * 0.05
    inp['b1_cb'] = jnp.zeros((H,), dtype=jnp.float32)
    # output head
    inp['W_out'] = jax.random.normal(ks[10], (O, H), dtype=jnp.float32) * 0.05
    inp['b_out'] = jnp.zeros((O,), dtype=jnp.float32)
    return inp


def reference(x_user, x_item, edge_index_clicks, edge_index_clicked_by,
              Wp_user, bp_user, Wp_item, bp_item,
              W0_c, b0_c, W0_cb, b0_cb,
              W1_c, b1_c, W1_cb, b1_cb,
              W_out, b_out):
    src_c, dst_c = edge_index_clicks[0], edge_index_clicks[1]
    src_b, dst_b = edge_index_clicked_by[0], edge_index_clicked_by[1]
    # input projection per ntype
    hu = x_user @ Wp_user.T + bp_user
    hi = x_item @ Wp_item.T + bp_item
    # layer 0: per-etype Linear, copy_u + mean, cross-type sum (single etype per dst)
    Wh_c = hu @ W0_c.T + b0_c
    Wh_b = hi @ W0_cb.T + b0_cb
    hi1 = seg_mean(jnp.take(Wh_c, src_c, axis=0), dst_c, NI)
    hu1 = seg_mean(jnp.take(Wh_b, src_b, axis=0), dst_b, NU)
    # leaky_relu between layers (i != 0)
    hu1 = jax.nn.leaky_relu(hu1, negative_slope=0.01)
    hi1 = jax.nn.leaky_relu(hi1, negative_slope=0.01)
    # layer 1
    Wh_c = hu1 @ W1_c.T + b1_c
    Wh_b = hi1 @ W1_cb.T + b1_cb
    hi2 = seg_mean(jnp.take(Wh_c, src_c, axis=0), dst_c, NI)
    hu2 = seg_mean(jnp.take(Wh_b, src_b, axis=0), dst_b, NU)
    # final linear on target_node = 'item'
    return hi2 @ W_out.T + b_out

if __name__ == "__main__":
    import jax
    _d = setup_inputs()
    print(jax.jit(kernel)(*tuple(_d.values())))

</pallas_src>

<mosaic_0001>
#map = affine_map<(d0, d1) -> (0, 0)>
#map1 = affine_map<(d0, d1) -> (0)>
#map2 = affine_map<(d0, d1) -> (0, 0, 0)>
module attributes {stable_mosaic.version = 14 : i64} {
  func.func @seg(%arg0: i32, %arg1: i32, %arg2: memref<10000x128xf32, #tpu.memory_space<hbm>>, %arg3: memref<320000xi32, #tpu.memory_space<hbm>>, %arg4: memref<320000xi32, #tpu.memory_space<hbm>>, %arg5: memref<10240x128xf32, #tpu.memory_space<hbm>>, %arg6: memref<2x10240x128xf32, #tpu.memory_space<hbm>>, %arg7: memref<80xi32, #tpu.memory_space<vmem>>, %arg8: memref<80xi32, #tpu.memory_space<vmem>>, %arg9: memref<80xi32, #tpu.memory_space<vmem>>, %arg10: memref<80xi32, #tpu.memory_space<vmem>>, %arg11: memref<80xi32, #tpu.memory_space<vmem>>, %arg12: memref<80xi32, #tpu.memory_space<vmem>>, %arg13: memref<80xi32, #tpu.memory_space<vmem>>, %arg14: memref<80xi32, #tpu.memory_space<vmem>>, %arg15: memref<80x128xf32, #tpu.memory_space<vmem>>, %arg16: memref<80x128xf32, #tpu.memory_space<vmem>>, %arg17: memref<10240x128xf32, #tpu.memory_space<vmem_shared>>, %arg18: memref<!tpu.dma_semaphore, #tpu.memory_space<semaphore_mem>>, %arg19: memref<!tpu.dma_semaphore, #tpu.memory_space<semaphore_mem>>, %arg20: memref<!tpu.dma_semaphore, #tpu.memory_space<semaphore_mem>>, %arg21: memref<!tpu.dma_semaphore, #tpu.memory_space<semaphore_mem>>, %arg22: memref<!tpu.dma_semaphore, #tpu.memory_space<semaphore_mem>>, %arg23: memref<!tpu.dma_semaphore, #tpu.memory_space<semaphore_mem>>, %arg24: memref<!tpu.dma_semaphore, #tpu.memory_space<semaphore_mem>>, %arg25: memref<!tpu.dma_semaphore, #tpu.memory_space<semaphore_mem>>, %arg26: memref<!tpu.dma_semaphore, #tpu.memory_space<semaphore_mem>>, %arg27: memref<!tpu.dma_semaphore, #tpu.memory_space<semaphore_mem>>) attributes {dimension_semantics = [#tpu.dimension_semantics<core_parallel>, #tpu.dimension_semantics<subcore_parallel>], iteration_bounds = array<i64: 2, 16>, scalar_prefetch = 0 : i64, scratch_operands = 21 : i64, tpu.core_type = #tpu.core_type<sc_vector_subcore>, window_params = [{transform_indices = #map}, {transform_indices = #map1}, {transform_indices = #map1}, {transform_indices = #map}, {transform_indices = #map2}]} {
    %mul3A = arith.constant 2 : i32
    %mul3A_0 = arith.muli %arg1, %mul3A : i32
    %add3A = arith.addi %mul3A_0, %arg0 : i32
    %mul3A_1 = arith.constant 10000 : i32
    %mul3A_2 = arith.muli %add3A, %mul3A_1 : i32
    %mul3A_3 = arith.constant 640 : i32
    %mul3A_4 = arith.muli %arg1, %mul3A_3 : i32
    %mul3A_5 = arith.constant 640 : i32
    %mul3A_6 = arith.muli %arg1, %mul3A_5 : i32
    "tpu.region"() ({
      %run_scoped3A = tpu.sem_alloc : memref<!tpu.dma_semaphore, #tpu.memory_space<semaphore_mem>>
      %dma_start3A_68 = arith.constant 0 : i32
      %dma_start3A_69 = tpu.memref_slice %arg17[%mul3A_6, %dma_start3A_68] : memref<10240x128xf32, #tpu.memory_space<vmem_shared>> -> memref<640x128xf32, #tpu.memory_space<vmem_shared>>
      %dma_start3A_70 = arith.constant 0 : i32
      %dma_start3A_71 = tpu.memref_slice %arg5[%mul3A_4, %dma_start3A_70] : memref<10240x128xf32, #tpu.memory_space<hbm>> -> memref<640x128xf32, #tpu.memory_space<hbm>>
      tpu.enqueue_dma source(%dma_start3A_71 : memref<640x128xf32, #tpu.memory_space<hbm>>) target(%dma_start3A_69 : memref<640x128xf32, #tpu.memory_space<vmem_shared>>) target_semaphore(%run_scoped3A : memref<!tpu.dma_semaphore, #tpu.memory_space<semaphore_mem>>)
      %dma_wait3A_72 = arith.constant 0 : i32
      %dma_wait3A_73 = tpu.memref_slice %arg17[%mul3A_6, %dma_wait3A_72] : memref<10240x128xf32, #tpu.memory_space<vmem_shared>> -> memref<640x128xf32, #tpu.memory_space<vmem_shared>>
      %dma_wait3A_74 = arith.constant 0 : i32
      %dma_wait3A_75 = tpu.memref_slice %arg5[%mul3A_4, %dma_wait3A_74] : memref<10240x128xf32, #tpu.memory_space<hbm>> -> memref<640x128xf32, #tpu.memory_space<hbm>>
      tpu.wait_dma2 semaphore(%run_scoped3A : memref<!tpu.dma_semaphore, #tpu.memory_space<semaphore_mem>>) src(%dma_wait3A_75 : memref<640x128xf32, #tpu.memory_space<hbm>>) dst(%dma_wait3A_73 : memref<640x128xf32, #tpu.memory_space<vmem_shared>>)
      tpu.yield
    }) : () -> ()
    %barrier3A = arith.constant 0 : index
    tpu.barrier barrier_id(%barrier3A)
    %add3A_7 = arith.constant 0 : i32
    %add3A_8 = arith.addi %mul3A_2, %add3A_7 : i32
    %dma_start3A = tpu.memref_slice %arg3[%add3A_8] : memref<320000xi32, #tpu.memory_space<hbm>> -> memref<80xi32, #tpu.memory_space<hbm>>
    %dma_start3A_9 = tpu.memref_slice %arg3[%add3A_8] : memref<320000xi32, #tpu.memory_space<hbm>> -> memref<80xi32, #tpu.memory_space<hbm>>
    tpu.enqueue_dma source(%dma_start3A_9 : memref<80xi32, #tpu.memory_space<hbm>>) target(%arg7 : memref<80xi32, #tpu.memory_space<vmem>>) target_semaphore(%arg18 : memref<!tpu.dma_semaphore, #tpu.memory_space<semaphore_mem>>)
    %add3A_10 = arith.constant 0 : i32
    %add3A_11 = arith.addi %mul3A_2, %add3A_10 : i32
    %dma_start3A_12 = tpu.memref_slice %arg4[%add3A_11] : memref<320000xi32, #tpu.memory_space<hbm>> -> memref<80xi32, #tpu.memory_space<hbm>>
    %dma_start3A_13 = tpu.memref_slice %arg4[%add3A_11] : memref<320000xi32, #tpu.memory_space<hbm>> -> memref<80xi32, #tpu.memory_space<hbm>>
    tpu.enqueue_dma source(%dma_start3A_13 : memref<80xi32, #tpu.memory_space<hbm>>) target(%arg11 : memref<80xi32, #tpu.memory_space<vmem>>) target_semaphore(%arg22 : memref<!tpu.dma_semaphore, #tpu.memory_space<semaphore_mem>>)
    %add3A_14 = arith.constant 80 : i32
    %add3A_15 = arith.addi %mul3A_2, %add3A_14 : i32
    %dma_start3A_16 = tpu.memref_slice %arg3[%add3A_15] : memref<320000xi32, #tpu.memory_space<hbm>> -> memref<80xi32, #tpu.memory_space<hbm>>
    %dma_start3A_17 = tpu.memref_slice %arg3[%add3A_15] : memref<320000xi32, #tpu.memory_space<hbm>> -> memref<80xi32, #tpu.memory_space<hbm>>
    tpu.enqueue_dma source(%dma_start3A_17 : memref<80xi32, #tpu.memory_space<hbm>>) target(%arg8 : memref<80xi32, #tpu.memory_space<vmem>>) target_semaphore(%arg19 : memref<!tpu.dma_semaphore, #tpu.memory_space<semaphore_mem>>)
    %add3A_18 = arith.constant 80 : i32
    %add3A_19 = arith.addi %mul3A_2, %add3A_18 : i32
    %dma_start3A_20 = tpu.memref_slice %arg4[%add3A_19] : memref<320000xi32, #tpu.memory_space<hbm>> -> memref<80xi32, #tpu.memory_space<hbm>>
    %dma_start3A_21 = tpu.memref_slice %arg4[%add3A_19] : memref<320000xi32, #tpu.memory_space<hbm>> -> memref<80xi32, #tpu.memory_space<hbm>>
    tpu.enqueue_dma source(%dma_start3A_21 : memref<80xi32, #tpu.memory_space<hbm>>) target(%arg12 : memref<80xi32, #tpu.memory_space<vmem>>) target_semaphore(%arg23 : memref<!tpu.dma_semaphore, #tpu.memory_space<semaphore_mem>>)
    %add3A_22 = arith.constant 160 : i32
    %add3A_23 = arith.addi %mul3A_2, %add3A_22 : i32
    %dma_start3A_24 = tpu.memref_slice %arg3[%add3A_23] : memref<320000xi32, #tpu.memory_space<hbm>> -> memref<80xi32, #tpu.memory_space<hbm>>
    %dma_start3A_25 = tpu.memref_slice %arg3[%add3A_23] : memref<320000xi32, #tpu.memory_space<hbm>> -> memref<80xi32, #tpu.memory_space<hbm>>
    tpu.enqueue_dma source(%dma_start3A_25 : memref<80xi32, #tpu.memory_space<hbm>>) target(%arg9 : memref<80xi32, #tpu.memory_space<vmem>>) target_semaphore(%arg20 : memref<!tpu.dma_semaphore, #tpu.memory_space<semaphore_mem>>)
    %add3A_26 = arith.constant 160 : i32
    %add3A_27 = arith.addi %mul3A_2, %add3A_26 : i32
    %dma_start3A_28 = tpu.memref_slice %arg4[%add3A_27] : memref<320000xi32, #tpu.memory_space<hbm>> -> memref<80xi32, #tpu.memory_space<hbm>>
    %dma_start3A_29 = tpu.memref_slice %arg4[%add3A_27] : memref<320000xi32, #tpu.memory_space<hbm>> -> memref<80xi32, #tpu.memory_space<hbm>>
    tpu.enqueue_dma source(%dma_start3A_29 : memref<80xi32, #tpu.memory_space<hbm>>) target(%arg13 : memref<80xi32, #tpu.memory_space<vmem>>) target_semaphore(%arg24 : memref<!tpu.dma_semaphore, #tpu.memory_space<semaphore_mem>>)
    %add3A_30 = arith.constant 240 : i32
    %add3A_31 = arith.addi %mul3A_2, %add3A_30 : i32
    %dma_start3A_32 = tpu.memref_slice %arg3[%add3A_31] : memref<320000xi32, #tpu.memory_space<hbm>> -> memref<80xi32, #tpu.memory_space<hbm>>
    %dma_start3A_33 = tpu.memref_slice %arg3[%add3A_31] : memref<320000xi32, #tpu.memory_space<hbm>> -> memref<80xi32, #tpu.memory_space<hbm>>
    tpu.enqueue_dma source(%dma_start3A_33 : memref<80xi32, #tpu.memory_space<hbm>>) target(%arg10 : memref<80xi32, #tpu.memory_space<vmem>>) target_semaphore(%arg21 : memref<!tpu.dma_semaphore, #tpu.memory_space<semaphore_mem>>)
    %add3A_34 = arith.constant 240 : i32
    %add3A_35 = arith.addi %mul3A_2, %add3A_34 : i32
    %dma_start3A_36 = tpu.memref_slice %arg4[%add3A_35] : memref<320000xi32, #tpu.memory_space<hbm>> -> memref<80xi32, #tpu.memory_space<hbm>>
    %dma_start3A_37 = tpu.memref_slice %arg4[%add3A_35] : memref<320000xi32, #tpu.memory_space<hbm>> -> memref<80xi32, #tpu.memory_space<hbm>>
    tpu.enqueue_dma source(%dma_start3A_37 : memref<80xi32, #tpu.memory_space<hbm>>) target(%arg14 : memref<80xi32, #tpu.memory_space<vmem>>) target_semaphore(%arg25 : memref<!tpu.dma_semaphore, #tpu.memory_space<semaphore_mem>>)
    %dma_wait3A = arith.constant 0 : i32
    %dma_wait3A_38 = tpu.memref_slice %arg3[%dma_wait3A] : memref<320000xi32, #tpu.memory_space<hbm>> -> memref<80xi32, #tpu.memory_space<hbm>>
    %dma_wait3A_39 = arith.constant 0 : i32
    %dma_wait3A_40 = tpu.memref_slice %arg3[%dma_wait3A_39] : memref<320000xi32, #tpu.memory_space<hbm>> -> memref<80xi32, #tpu.memory_space<hbm>>
    tpu.wait_dma2 semaphore(%arg18 : memref<!tpu.dma_semaphore, #tpu.memory_space<semaphore_mem>>) src(%dma_wait3A_40 : memref<80xi32, #tpu.memory_space<hbm>>) dst(%arg7 : memref<80xi32, #tpu.memory_space<vmem>>)
    %dma_start3A_41 = arith.constant 0 : i32
    %dma_start3A_42 = arith.constant 0 : i32
    %dma_start3A_43 = tpu.memref_slice %arg2[%dma_start3A_41, %dma_start3A_42] : memref<10000x128xf32, #tpu.memory_space<hbm>> -> memref<10000x128xf32, #tpu.memory_space<hbm>>
    tpu.enqueue_indirect_dma source(%dma_start3A_43 : memref<10000x128xf32, #tpu.memory_space<hbm>>) target(%arg15 : memref<80x128xf32, #tpu.memory_space<vmem>>) offsets(%arg7 : memref<80xi32, #tpu.memory_space<vmem>>) semaphore(%arg26 : memref<!tpu.dma_semaphore, #tpu.memory_space<semaphore_mem>>)
    %dma_wait3A_44 = arith.constant 0 : i32
    %dma_wait3A_45 = tpu.memref_slice %arg3[%dma_wait3A_44] : memref<320000xi32, #tpu.memory_space<hbm>> -> memref<80xi32, #tpu.memory_space<hbm>>
    %dma_wait3A_46 = arith.constant 0 : i32
    %dma_wait3A_47 = tpu.memref_slice %arg3[%dma_wait3A_46] : memref<320000xi32, #tpu.memory_space<hbm>> -> memref<80xi32, #tpu.memory_space<hbm>>
    tpu.wait_dma2 semaphore(%arg19 : memref<!tpu.dma_semaphore, #tpu.memory_space<semaphore_mem>>) src(%dma_wait3A_47 : memref<80xi32, #tpu.memory_space<hbm>>) dst(%arg8 : memref<80xi32, #tpu.memory_space<vmem>>)
    %dma_start3A_48 = arith.constant 0 : i32
    %dma_start3A_49 = arith.constant 0 : i32
    %dma_start3A_50 = tpu.memref_slice %arg2[%dma_start3A_48, %dma_start3A_49] : memref<10000x128xf32, #tpu.memory_space<hbm>> -> memref<10000x128xf32, #tpu.memory_space<hbm>>
    tpu.enqueue_indirect_dma source(%dma_start3A_50 : memref<10000x128xf32, #tpu.memory_space<hbm>>) target(%arg16 : memref<80x128xf32, #tpu.memory_space<vmem>>) offsets(%arg8 : memref<80xi32, #tpu.memory_space<vmem>>) semaphore(%arg27 : memref<!tpu.dma_semaphore, #tpu.memory_space<semaphore_mem>>)
    %scan3A = arith.constant 0 : i32
    %scan3A_51 = arith.constant 0 : i32
    %scan3A_52 = arith.constant 31 : i32
    %scan3A_53 = arith.addi %scan3A_51, %scan3A_52 : i32
    %scan3A_54 = arith.constant 1 : i32
    scf.for %scan3A_68 = %scan3A_51 to %scan3A_53 step %scan3A_54  : i32 {
      %mul3A_69 = arith.constant 4 : i32
      %mul3A_70 = arith.muli %scan3A_68, %mul3A_69 : i32
      %add3A_71 = arith.constant 0 : i32
      %add3A_72 = arith.addi %mul3A_70, %add3A_71 : i32
      %dma_wait3A_73 = arith.constant 0 : i32
      %dma_wait3A_74 = arith.constant 0 : i32
      %dma_wait3A_75 = tpu.memref_slice %arg2[%dma_wait3A_73, %dma_wait3A_74] : memref<10000x128xf32, #tpu.memory_space<hbm>> -> memref<10000x128xf32, #tpu.memory_space<hbm>>
      tpu.wait_indirect_dma semaphore(%arg26 : memref<!tpu.dma_semaphore, #tpu.memory_space<semaphore_mem>>) src(%dma_wait3A_75 : memref<10000x128xf32, #tpu.memory_space<hbm>>) dst(%arg15 : memref<80x128xf32, #tpu.memory_space<vmem>>)
      %dma_wait3A_76 = arith.constant 0 : i32
      %dma_wait3A_77 = tpu.memref_slice %arg4[%dma_wait3A_76] : memref<320000xi32, #tpu.memory_space<hbm>> -> memref<80xi32, #tpu.memory_space<hbm>>
      %dma_wait3A_78 = arith.constant 0 : i32
      %dma_wait3A_79 = tpu.memref_slice %arg4[%dma_wait3A_78] : memref<320000xi32, #tpu.memory_space<hbm>> -> memref<80xi32, #tpu.memory_space<hbm>>
      tpu.wait_dma2 semaphore(%arg22 : memref<!tpu.dma_semaphore, #tpu.memory_space<semaphore_mem>>) src(%dma_wait3A_79 : memref<80xi32, #tpu.memory_space<hbm>>) dst(%arg11 : memref<80xi32, #tpu.memory_space<vmem>>)
      "tpu.region"() ({
        %run_scoped3A = tpu.sem_alloc : memref<!tpu.dma_semaphore, #tpu.memory_space<semaphore_mem>>
        %dma_start3A_166 = arith.constant 0 : i32
        %dma_start3A_167 = arith.constant 0 : i32
        %dma_start3A_168 = tpu.memref_slice %arg17[%dma_start3A_166, %dma_start3A_167] : memref<10240x128xf32, #tpu.memory_space<vmem_shared>> -> memref<10240x128xf32, #tpu.memory_space<vmem_shared>>
        tpu.enqueue_indirect_dma source(%arg15 : memref<80x128xf32, #tpu.memory_space<vmem>>) target(%dma_start3A_168 : memref<10240x128xf32, #tpu.memory_space<vmem_shared>>) offsets(%arg11 : memref<80xi32, #tpu.memory_space<vmem>>) semaphore(%run_scoped3A : memref<!tpu.dma_semaphore, #tpu.memory_space<semaphore_mem>>) {add = true}
        %dma_wait3A_169 = arith.constant 0 : i32
        %dma_wait3A_170 = arith.constant 0 : i32
        %dma_wait3A_171 = tpu.memref_slice %arg17[%dma_wait3A_169, %dma_wait3A_170] : memref<10240x128xf32, #tpu.memory_space<vmem_shared>> -> memref<10240x128xf32, #tpu.memory_space<vmem_shared>>
        tpu.wait_indirect_dma semaphore(%run_scoped3A : memref<!tpu.dma_semaphore, #tpu.memory_space<semaphore_mem>>) src(%arg15 : memref<80x128xf32, #tpu.memory_space<vmem>>) dst(%dma_wait3A_171 : memref<10240x128xf32, #tpu.memory_space<vmem_shared>>)
        tpu.yield
      }) : () -> ()
      %add3A_80 = arith.constant 4 : i32
      %add3A_81 = arith.addi %add3A_72, %add3A_80 : i32
      %lt3A = arith.constant 125 : i32
      %lt3A_82 = arith.cmpi slt, %add3A_81, %lt3A : i32
      %convert_element_type3A = arith.extui %lt3A_82 : i1 to i32
      %cond3A = arith.constant 0 : i32
      %cond3A_83 = arith.cmpi ne, %convert_element_type3A, %cond3A : i32
      scf.if %cond3A_83 {
        %mul3A_166 = arith.constant 80 : i32
        %mul3A_167 = arith.muli %add3A_81, %mul3A_166 : i32
        %add3A_168 = arith.addi %mul3A_2, %mul3A_167 : i32
        %dma_start3A_169 = tpu.memref_slice %arg3[%add3A_168] : memref<320000xi32, #tpu.memory_space<hbm>> -> memref<80xi32, #tpu.memory_space<hbm>>
        %dma_start3A_170 = tpu.memref_slice %arg3[%add3A_168] : memref<320000xi32, #tpu.memory_space<hbm>> -> memref<80xi32, #tpu.memory_space<hbm>>
        tpu.enqueue_dma source(%dma_start3A_170 : memref<80xi32, #tpu.memory_space<hbm>>) target(%arg7 : memref<80xi32, #tpu.memory_space<vmem>>) target_semaphore(%arg18 : memref<!tpu.dma_semaphore, #tpu.memory_space<semaphore_mem>>)
        %mul3A_171 = arith.constant 80 : i32
        %mul3A_172 = arith.muli %add3A_81, %mul3A_171 : i32
        %add3A_173 = arith.addi %mul3A_2, %mul3A_172 : i32
        %dma_start3A_174 = tpu.memref_slice %arg4[%add3A_173] : memref<320000xi32, #tpu.memory_space<hbm>> -> memref<80xi32, #tpu.memory_space<hbm>>
        %dma_start3A_175 = tpu.memref_slice %arg4[%add3A_173] : memref<320000xi32, #tpu.memory_space<hbm>> -> memref<80xi32, #tpu.memory_space<hbm>>
        tpu.enqueue_dma source(%dma_start3A_175 : memref<80xi32, #tpu.memory_space<hbm>>) target(%arg11 : memref<80xi32, #tpu.memory_space<vmem>>) target_semaphore(%arg22 : memref<!tpu.dma_semaphore, #tpu.memory_space<semaphore_mem>>)
      } else {
      }
      %add3A_84 = arith.constant 2 : i32
      %add3A_85 = arith.addi %add3A_72, %add3A_84 : i32
      %lt3A_86 = arith.constant 125 : i32
      %lt3A_87 = arith.cmpi slt, %add3A_85, %lt3A_86 : i32
      %convert_element_type3A_88 = arith.extui %lt3A_87 : i1 to i32
      %cond3A_89 = arith.constant 0 : i32
      %cond3A_90 = arith.cmpi ne, %convert_element_type3A_88, %cond3A_89 : i32
      scf.if %cond3A_90 {
        %dma_wait3A_166 = arith.constant 0 : i32
        %dma_wait3A_167 = tpu.memref_slice %arg3[%dma_wait3A_166] : memref<320000xi32, #tpu.memory_space<hbm>> -> memref<80xi32, #tpu.memory_space<hbm>>
        %dma_wait3A_168 = arith.constant 0 : i32
        %dma_wait3A_169 = tpu.memref_slice %arg3[%dma_wait3A_168] : memref<320000xi32, #tpu.memory_space<hbm>> -> memref<80xi32, #tpu.memory_space<hbm>>
        tpu.wait_dma2 semaphore(%arg20 : memref<!tpu.dma_semaphore, #tpu.memory_space<semaphore_mem>>) src(%dma_wait3A_169 : memref<80xi32, #tpu.memory_space<hbm>>) dst(%arg9 : memref<80xi32, #tpu.memory_space<vmem>>)
        %dma_start3A_170 = arith.constant 0 : i32
        %dma_start3A_171 = arith.constant 0 : i32
        %dma_start3A_172 = tpu.memref_slice %arg2[%dma_start3A_170, %dma_start3A_171] : memref<10000x128xf32, #tpu.memory_space<hbm>> -> memref<10000x128xf32, #tpu.memory_space<hbm>>
        tpu.enqueue_indirect_dma source(%dma_start3A_172 : memref<10000x128xf32, #tpu.memory_space<hbm>>) target(%arg15 : memref<80x128xf32, #tpu.memory_space<vmem>>) offsets(%arg9 : memref<80xi32, #tpu.memory_space<vmem>>) semaphore(%arg26 : memref<!tpu.dma_semaphore, #tpu.memory_space<semaphore_mem>>)
      } else {
      }
      %mul3A_91 = arith.constant 4 : i32
      %mul3A_92 = arith.muli %scan3A_68, %mul3A_91 : i32
      %add3A_93 = arith.constant 1 : i32
      %add3A_94 = arith.addi %mul3A_92, %add3A_93 : i32
      %dma_wait3A_95 = arith.constant 0 : i32
      %dma_wait3A_96 = arith.constant 0 : i32
      %dma_wait3A_97 = tpu.memref_slice %arg2[%dma_wait3A_95, %dma_wait3A_96] : memref<10000x128xf32, #tpu.memory_space<hbm>> -> memref<10000x128xf32, #tpu.memory_space<hbm>>
      tpu.wait_indirect_dma semaphore(%arg27 : memref<!tpu.dma_semaphore, #tpu.memory_space<semaphore_mem>>) src(%dma_wait3A_97 : memref<10000x128xf32, #tpu.memory_space<hbm>>) dst(%arg16 : memref<80x128xf32, #tpu.memory_space<vmem>>)
      %dma_wait3A_98 = arith.constant 0 : i32
      %dma_wait3A_99 = tpu.memref_slice %arg4[%dma_wait3A_98] : memref<320000xi32, #tpu.memory_space<hbm>> -> memref<80xi32, #tpu.memory_space<hbm>>
      %dma_wait3A_100 = arith.constant 0 : i32
      %dma_wait3A_101 = tpu.memref_slice %arg4[%dma_wait3A_100] : memref<320000xi32, #tpu.memory_space<hbm>> -> memref<80xi32, #tpu.memory_space<hbm>>
      tpu.wait_dma2 semaphore(%arg23 : memref<!tpu.dma_semaphore, #tpu.memory_space<semaphore_mem>>) src(%dma_wait3A_101 : memref<80xi32, #tpu.memory_space<hbm>>) dst(%arg12 : memref<80xi32, #tpu.memory_space<vmem>>)
      "tpu.region"() ({
        %run_scoped3A = tpu.sem_alloc : memref<!tpu.dma_semaphore, #tpu.memory_space<semaphore_mem>>
        %dma_start3A_166 = arith.constant 0 : i32
        %dma_start3A_167 = arith.constant 0 : i32
        %dma_start3A_168 = tpu.memref_slice %arg17[%dma_start3A_166, %dma_start3A_167] : memref<10240x128xf32, #tpu.memory_space<vmem_shared>> -> memref<10240x128xf32, #tpu.memory_space<vmem_shared>>
        tpu.enqueue_indirect_dma source(%arg16 : memref<80x128xf32, #tpu.memory_space<vmem>>) target(%dma_start3A_168 : memref<10240x128xf32, #tpu.memory_space<vmem_shared>>) offsets(%arg12 : memref<80xi32, #tpu.memory_space<vmem>>) semaphore(%run_scoped3A : memref<!tpu.dma_semaphore, #tpu.memory_space<semaphore_mem>>) {add = true}
        %dma_wait3A_169 = arith.constant 0 : i32
        %dma_wait3A_170 = arith.constant 0 : i32
        %dma_wait3A_171 = tpu.memref_slice %arg17[%dma_wait3A_169, %dma_wait3A_170] : memref<10240x128xf32, #tpu.memory_space<vmem_shared>> -> memref<10240x128xf32, #tpu.memory_space<vmem_shared>>
        tpu.wait_indirect_dma semaphore(%run_scoped3A : memref<!tpu.dma_semaphore, #tpu.memory_space<semaphore_mem>>) src(%arg16 : memref<80x128xf32, #tpu.memory_space<vmem>>) dst(%dma_wait3A_171 : memref<10240x128xf32, #tpu.memory_space<vmem_shared>>)
        tpu.yield
      }) : () -> ()
      %add3A_102 = arith.constant 4 : i32
      %add3A_103 = arith.addi %add3A_94, %add3A_102 : i32
      %lt3A_104 = arith.constant 125 : i32
      %lt3A_105 = arith.cmpi slt, %add3A_103, %lt3A_104 : i32
      %convert_element_type3A_106 = arith.extui %lt3A_105 : i1 to i32
      %cond3A_107 = arith.constant 0 : i32
      %cond3A_108 = arith.cmpi ne, %convert_element_type3A_106, %cond3A_107 : i32
      scf.if %cond3A_108 {
        %mul3A_166 = arith.constant 80 : i32
        %mul3A_167 = arith.muli %add3A_103, %mul3A_166 : i32
        %add3A_168 = arith.addi %mul3A_2, %mul3A_167 : i32
        %dma_start3A_169 = tpu.memref_slice %arg3[%add3A_168] : memref<320000xi32, #tpu.memory_space<hbm>> -> memref<80xi32, #tpu.memory_space<hbm>>
        %dma_start3A_170 = tpu.memref_slice %arg3[%add3A_168] : memref<320000xi32, #tpu.memory_space<hbm>> -> memref<80xi32, #tpu.memory_space<hbm>>
        tpu.enqueue_dma source(%dma_start3A_170 : memref<80xi32, #tpu.memory_space<hbm>>) target(%arg8 : memref<80xi32, #tpu.memory_space<vmem>>) target_semaphore(%arg19 : memref<!tpu.dma_semaphore, #tpu.memory_space<semaphore_mem>>)
        %mul3A_171 = arith.constant 80 : i32
        %mul3A_172 = arith.muli %add3A_103, %mul3A_171 : i32
        %add3A_173 = arith.addi %mul3A_2, %mul3A_172 : i32
        %dma_start3A_174 = tpu.memref_slice %arg4[%add3A_173] : memref<320000xi32, #tpu.memory_space<hbm>> -> memref<80xi32, #tpu.memory_space<hbm>>
        %dma_start3A_175 = tpu.memref_slice %arg4[%add3A_173] : memref<320000xi32, #tpu.memory_space<hbm>> -> memref<80xi32, #tpu.memory_space<hbm>>
        tpu.enqueue_dma source(%dma_start3A_175 : memref<80xi32, #tpu.memory_space<hbm>>) target(%arg12 : memref<80xi32, #tpu.memory_space<vmem>>) target_semaphore(%arg23 : memref<!tpu.dma_semaphore, #tpu.memory_space<semaphore_mem>>)
      } else {
      }
      %add3A_109 = arith.constant 2 : i32
      %add3A_110 = arith.addi %add3A_94, %add3A_109 : i32
      %lt3A_111 = arith.constant 125 : i32
      %lt3A_112 = arith.cmpi slt, %add3A_110, %lt3A_111 : i32
      %convert_element_type3A_113 = arith.extui %lt3A_112 : i1 to i32
      %cond3A_114 = arith.constant 0 : i32
      %cond3A_115 = arith.cmpi ne, %convert_element_type3A_113, %cond3A_114 : i32
      scf.if %cond3A_115 {
        %dma_wait3A_166 = arith.constant 0 : i32
        %dma_wait3A_167 = tpu.memref_slice %arg3[%dma_wait3A_166] : memref<320000xi32, #tpu.memory_space<hbm>> -> memref<80xi32, #tpu.memory_space<hbm>>
        %dma_wait3A_168 = arith.constant 0 : i32
        %dma_wait3A_169 = tpu.memref_slice %arg3[%dma_wait3A_168] : memref<320000xi32, #tpu.memory_space<hbm>> -> memref<80xi32, #tpu.memory_space<hbm>>
        tpu.wait_dma2 semaphore(%arg21 : memref<!tpu.dma_semaphore, #tpu.memory_space<semaphore_mem>>) src(%dma_wait3A_169 : memref<80xi32, #tpu.memory_space<hbm>>) dst(%arg10 : memref<80xi32, #tpu.memory_space<vmem>>)
        %dma_start3A_170 = arith.constant 0 : i32
        %dma_start3A_171 = arith.constant 0 : i32
        %dma_start3A_172 = tpu.memref_slice %arg2[%dma_start3A_170, %dma_start3A_171] : memref<10000x128xf32, #tpu.memory_space<hbm>> -> memref<10000x128xf32, #tpu.memory_space<hbm>>
        tpu.enqueue_indirect_dma source(%dma_start3A_172 : memref<10000x128xf32, #tpu.memory_space<hbm>>) target(%arg16 : memref<80x128xf32, #tpu.memory_space<vmem>>) offsets(%arg10 : memref<80xi32, #tpu.memory_space<vmem>>) semaphore(%arg27 : memref<!tpu.dma_semaphore, #tpu.memory_space<semaphore_mem>>)
      } else {
      }
      %mul3A_116 = arith.constant 4 : i32
      %mul3A_117 = arith.muli %scan3A_68, %mul3A_116 : i32
      %add3A_118 = arith.constant 2 : i32
      %add3A_119 = arith.addi %mul3A_117, %add3A_118 : i32
      %dma_wait3A_120 = arith.constant 0 : i32
      %dma_wait3A_121 = arith.constant 0 : i32
      %dma_wait3A_122 = tpu.memref_slice %arg2[%dma_wait3A_120, %dma_wait3A_121] : memref<10000x128xf32, #tpu.memory_space<hbm>> -> memref<10000x128xf32, #tpu.memory_space<hbm>>
      tpu.wait_indirect_dma semaphore(%arg26 : memref<!tpu.dma_semaphore, #tpu.memory_space<semaphore_mem>>) src(%dma_wait3A_122 : memref<10000x128xf32, #tpu.memory_space<hbm>>) dst(%arg15 : memref<80x128xf32, #tpu.memory_space<vmem>>)
      %dma_wait3A_123 = arith.constant 0 : i32
      %dma_wait3A_124 = tpu.memref_slice %arg4[%dma_wait3A_123] : memref<320000xi32, #tpu.memory_space<hbm>> -> memref<80xi32, #tpu.memory_space<hbm>>
      %dma_wait3A_125 = arith.constant 0 : i32
      %dma_wait3A_126 = tpu.memref_slice %arg4[%dma_wait3A_125] : memref<320000xi32, #tpu.memory_space<hbm>> -> memref<80xi32, #tpu.memory_space<hbm>>
      tpu.wait_dma2 semaphore(%arg24 : memref<!tpu.dma_semaphore, #tpu.memory_space<semaphore_mem>>) src(%dma_wait3A_126 : memref<80xi32, #tpu.memory_space<hbm>>) dst(%arg13 : memref<80xi32, #tpu.memory_space<vmem>>)
      "tpu.region"() ({
        %run_scoped3A = tpu.sem_alloc : memref<!tpu.dma_semaphore, #tpu.memory_space<semaphore_mem>>
        %dma_start3A_166 = arith.constant 0 : i32
        %dma_start3A_167 = arith.constant 0 : i32
        %dma_start3A_168 = tpu.memref_slice %arg17[%dma_start3A_166, %dma_start3A_167] : memref<10240x128xf32, #tpu.memory_space<vmem_shared>> -> memref<10240x128xf32, #tpu.memory_space<vmem_shared>>
        tpu.enqueue_indirect_dma source(%arg15 : memref<80x128xf32, #tpu.memory_space<vmem>>) target(%dma_start3A_168 : memref<10240x128xf32, #tpu.memory_space<vmem_shared>>) offsets(%arg13 : memref<80xi32, #tpu.memory_space<vmem>>) semaphore(%run_scoped3A : memref<!tpu.dma_semaphore, #tpu.memory_space<semaphore_mem>>) {add = true}
        %dma_wait3A_169 = arith.constant 0 : i32
        %dma_wait3A_170 = arith.constant 0 : i32
        %dma_wait3A_171 = tpu.memref_slice %arg17[%dma_wait3A_169, %dma_wait3A_170] : memref<10240x128xf32, #tpu.memory_space<vmem_shared>> -> memref<10240x128xf32, #tpu.memory_space<vmem_shared>>
        tpu.wait_indirect_dma semaphore(%run_scoped3A : memref<!tpu.dma_semaphore, #tpu.memory_space<semaphore_mem>>) src(%arg15 : memref<80x128xf32, #tpu.memory_space<vmem>>) dst(%dma_wait3A_171 : memref<10240x128xf32, #tpu.memory_space<vmem_shared>>)
        tpu.yield
      }) : () -> ()
      %add3A_127 = arith.constant 4 : i32
      %add3A_128 = arith.addi %add3A_119, %add3A_127 : i32
      %lt3A_129 = arith.constant 125 : i32
      %lt3A_130 = arith.cmpi slt, %add3A_128, %lt3A_129 : i32
      %convert_element_type3A_131 = arith.extui %lt3A_130 : i1 to i32
      %cond3A_132 = arith.constant 0 : i32
      %cond3A_133 = arith.cmpi ne, %convert_element_type3A_131, %cond3A_132 : i32
      scf.if %cond3A_133 {
        %mul3A_166 = arith.constant 80 : i32
        %mul3A_167 = arith.muli %add3A_128, %mul3A_166 : i32
        %add3A_168 = arith.addi %mul3A_2, %mul3A_167 : i32
        %dma_start3A_169 = tpu.memref_slice %arg3[%add3A_168] : memref<320000xi32, #tpu.memory_space<hbm>> -> memref<80xi32, #tpu.memory_space<hbm>>
        %dma_start3A_170 = tpu.memref_slice %arg3[%add3A_168] : memref<320000xi32, #tpu.memory_space<hbm>> -> memref<80xi32, #tpu.memory_space<hbm>>
        tpu.enqueue_dma source(%dma_start3A_170 : memref<80xi32, #tpu.memory_space<hbm>>) target(%arg9 : memref<80xi32, #tpu.memory_space<vmem>>) target_semaphore(%arg20 : memref<!tpu.dma_semaphore, #tpu.memory_space<semaphore_mem>>)
        %mul3A_171 = arith.constant 80 : i32
        %mul3A_172 = arith.muli %add3A_128, %mul3A_171 : i32
        %add3A_173 = arith.addi %mul3A_2, %mul3A_172 : i32
        %dma_start3A_174 = tpu.memref_slice %arg4[%add3A_173] : memref<320000xi32, #tpu.memory_space<hbm>> -> memref<80xi32, #tpu.memory_space<hbm>>
        %dma_start3A_175 = tpu.memref_slice %arg4[%add3A_173] : memref<320000xi32, #tpu.memory_space<hbm>> -> memref<80xi32, #tpu.memory_space<hbm>>
        tpu.enqueue_dma source(%dma_start3A_175 : memref<80xi32, #tpu.memory_space<hbm>>) target(%arg13 : memref<80xi32, #tpu.memory_space<vmem>>) target_semaphore(%arg24 : memref<!tpu.dma_semaphore, #tpu.memory_space<semaphore_mem>>)
      } else {
      }
      %add3A_134 = arith.constant 2 : i32
      %add3A_135 = arith.addi %add3A_119, %add3A_134 : i32
      %lt3A_136 = arith.constant 125 : i32
      %lt3A_137 = arith.cmpi slt, %add3A_135, %lt3A_136 : i32
      %convert_element_type3A_138 = arith.extui %lt3A_137 : i1 to i32
      %cond3A_139 = arith.constant 0 : i32
      %cond3A_140 = arith.cmpi ne, %convert_element_type3A_138, %cond3A_139 : i32
      scf.if %cond3A_140 {
        %dma_wait3A_166 = arith.constant 0 : i32
        %dma_wait3A_167 = tpu.memref_slice %arg3[%dma_wait3A_166] : memref<320000xi32, #tpu.memory_space<hbm>> -> memref<80xi32, #tpu.memory_space<hbm>>
        %dma_wait3A_168 = arith.constant 0 : i32
        %dma_wait3A_169 = tpu.memref_slice %arg3[%dma_wait3A_168] : memref<320000xi32, #tpu.memory_space<hbm>> -> memref<80xi32, #tpu.memory_space<hbm>>
        tpu.wait_dma2 semaphore(%arg18 : memref<!tpu.dma_semaphore, #tpu.memory_space<semaphore_mem>>) src(%dma_wait3A_169 : memref<80xi32, #tpu.memory_space<hbm>>) dst(%arg7 : memref<80xi32, #tpu.memory_space<vmem>>)
        %dma_start3A_170 = arith.constant 0 : i32
        %dma_start3A_171 = arith.constant 0 : i32
        %dma_start3A_172 = tpu.memref_slice %arg2[%dma_start3A_170, %dma_start3A_171] : memref<10000x128xf32, #tpu.memory_space<hbm>> -> memref<10000x128xf32, #tpu.memory_space<hbm>>
        tpu.enqueue_indirect_dma source(%dma_start3A_172 : memref<10000x128xf32, #tpu.memory_space<hbm>>) target(%arg15 : memref<80x128xf32, #tpu.memory_space<vmem>>) offsets(%arg7 : memref<80xi32, #tpu.memory_space<vmem>>) semaphore(%arg26 : memref<!tpu.dma_semaphore, #tpu.memory_space<semaphore_mem>>)
      } else {
      }
      %mul3A_141 = arith.constant 4 : i32
      %mul3A_142 = arith.muli %scan3A_68, %mul3A_141 : i32
      %add3A_143 = arith.constant 3 : i32
      %add3A_144 = arith.addi %mul3A_142, %add3A_143 : i32
      %dma_wait3A_145 = arith.constant 0 : i32
      %dma_wait3A_146 = arith.constant 0 : i32
      %dma_wait3A_147 = tpu.memref_slice %arg2[%dma_wait3A_145, %dma_wait3A_146] : memref<10000x128xf32, #tpu.memory_space<hbm>> -> memref<10000x128xf32, #tpu.memory_space<hbm>>
      tpu.wait_indirect_dma semaphore(%arg27 : memref<!tpu.dma_semaphore, #tpu.memory_space<semaphore_mem>>) src(%dma_wait3A_147 : memref<10000x128xf32, #tpu.memory_space<hbm>>) dst(%arg16 : memref<80x128xf32, #tpu.memory_space<vmem>>)
      %dma_wait3A_148 = arith.constant 0 : i32
      %dma_wait3A_149 = tpu.memref_slice %arg4[%dma_wait3A_148] : memref<320000xi32, #tpu.memory_space<hbm>> -> memref<80xi32, #tpu.memory_space<hbm>>
      %dma_wait3A_150 = arith.constant 0 : i32
      %dma_wait3A_151 = tpu.memref_slice %arg4[%dma_wait3A_150] : memref<320000xi32, #tpu.memory_space<hbm>> -> memref<80xi32, #tpu.memory_space<hbm>>
      tpu.wait_dma2 semaphore(%arg25 : memref<!tpu.dma_semaphore, #tpu.memory_space<semaphore_mem>>) src(%dma_wait3A_151 : memref<80xi32, #tpu.memory_space<hbm>>) dst(%arg14 : memref<80xi32, #tpu.memory_space<vmem>>)
      "tpu.region"() ({
        %run_scoped3A = tpu.sem_alloc : memref<!tpu.dma_semaphore, #tpu.memory_space<semaphore_mem>>
        %dma_start3A_166 = arith.constant 0 : i32
        %dma_start3A_167 = arith.constant 0 : i32
        %dma_start3A_168 = tpu.memref_slice %arg17[%dma_start3A_166, %dma_start3A_167] : memref<10240x128xf32, #tpu.memory_space<vmem_shared>> -> memref<10240x128xf32, #tpu.memory_space<vmem_shared>>
        tpu.enqueue_indirect_dma source(%arg16 : memref<80x128xf32, #tpu.memory_space<vmem>>) target(%dma_start3A_168 : memref<10240x128xf32, #tpu.memory_space<vmem_shared>>) offsets(%arg14 : memref<80xi32, #tpu.memory_space<vmem>>) semaphore(%run_scoped3A : memref<!tpu.dma_semaphore, #tpu.memory_space<semaphore_mem>>) {add = true}
        %dma_wait3A_169 = arith.constant 0 : i32
        %dma_wait3A_170 = arith.constant 0 : i32
        %dma_wait3A_171 = tpu.memref_slice %arg17[%dma_wait3A_169, %dma_wait3A_170] : memref<10240x128xf32, #tpu.memory_space<vmem_shared>> -> memref<10240x128xf32, #tpu.memory_space<vmem_shared>>
        tpu.wait_indirect_dma semaphore(%run_scoped3A : memref<!tpu.dma_semaphore, #tpu.memory_space<semaphore_mem>>) src(%arg16 : memref<80x128xf32, #tpu.memory_space<vmem>>) dst(%dma_wait3A_171 : memref<10240x128xf32, #tpu.memory_space<vmem_shared>>)
        tpu.yield
      }) : () -> ()
      %add3A_152 = arith.constant 4 : i32
      %add3A_153 = arith.addi %add3A_144, %add3A_152 : i32
      %lt3A_154 = arith.constant 125 : i32
      %lt3A_155 = arith.cmpi slt, %add3A_153, %lt3A_154 : i32
      %convert_element_type3A_156 = arith.extui %lt3A_155 : i1 to i32
      %cond3A_157 = arith.constant 0 : i32
      %cond3A_158 = arith.cmpi ne, %convert_element_type3A_156, %cond3A_157 : i32
      scf.if %cond3A_158 {
        %mul3A_166 = arith.constant 80 : i32
        %mul3A_167 = arith.muli %add3A_153, %mul3A_166 : i32
        %add3A_168 = arith.addi %mul3A_2, %mul3A_167 : i32
        %dma_start3A_169 = tpu.memref_slice %arg3[%add3A_168] : memref<320000xi32, #tpu.memory_space<hbm>> -> memref<80xi32, #tpu.memory_space<hbm>>
        %dma_start3A_170 = tpu.memref_slice %arg3[%add3A_168] : memref<320000xi32, #tpu.memory_space<hbm>> -> memref<80xi32, #tpu.memory_space<hbm>>
        tpu.enqueue_dma source(%dma_start3A_170 : memref<80xi32, #tpu.memory_space<hbm>>) target(%arg10 : memref<80xi32, #tpu.memory_space<vmem>>) target_semaphore(%arg21 : memref<!tpu.dma_semaphore, #tpu.memory_space<semaphore_mem>>)
        %mul3A_171 = arith.constant 80 : i32
        %mul3A_172 = arith.muli %add3A_153, %mul3A_171 : i32
        %add3A_173 = arith.addi %mul3A_2, %mul3A_172 : i32
        %dma_start3A_174 = tpu.memref_slice %arg4[%add3A_173] : memref<320000xi32, #tpu.memory_space<hbm>> -> memref<80xi32, #tpu.memory_space<hbm>>
        %dma_start3A_175 = tpu.memref_slice %arg4[%add3A_173] : memref<320000xi32, #tpu.memory_space<hbm>> -> memref<80xi32, #tpu.memory_space<hbm>>
        tpu.enqueue_dma source(%dma_start3A_175 : memref<80xi32, #tpu.memory_space<hbm>>) target(%arg14 : memref<80xi32, #tpu.memory_space<vmem>>) target_semaphore(%arg25 : memref<!tpu.dma_semaphore, #tpu.memory_space<semaphore_mem>>)
      } else {
      }
      %add3A_159 = arith.constant 2 : i32
      %add3A_160 = arith.addi %add3A_144, %add3A_159 : i32
      %lt3A_161 = arith.constant 125 : i32
      %lt3A_162 = arith.cmpi slt, %add3A_160, %lt3A_161 : i32
      %convert_element_type3A_163 = arith.extui %lt3A_162 : i1 to i32
      %cond3A_164 = arith.constant 0 : i32
      %cond3A_165 = arith.cmpi ne, %convert_element_type3A_163, %cond3A_164 : i32
      scf.if %cond3A_165 {
        %dma_wait3A_166 = arith.constant 0 : i32
        %dma_wait3A_167 = tpu.memref_slice %arg3[%dma_wait3A_166] : memref<320000xi32, #tpu.memory_space<hbm>> -> memref<80xi32, #tpu.memory_space<hbm>>
        %dma_wait3A_168 = arith.constant 0 : i32
        %dma_wait3A_169 = tpu.memref_slice %arg3[%dma_wait3A_168] : memref<320000xi32, #tpu.memory_space<hbm>> -> memref<80xi32, #tpu.memory_space<hbm>>
        tpu.wait_dma2 semaphore(%arg19 : memref<!tpu.dma_semaphore, #tpu.memory_space<semaphore_mem>>) src(%dma_wait3A_169 : memref<80xi32, #tpu.memory_space<hbm>>) dst(%arg8 : memref<80xi32, #tpu.memory_space<vmem>>)
        %dma_start3A_170 = arith.constant 0 : i32
        %dma_start3A_171 = arith.constant 0 : i32
        %dma_start3A_172 = tpu.memref_slice %arg2[%dma_start3A_170, %dma_start3A_171] : memref<10000x128xf32, #tpu.memory_space<hbm>> -> memref<10000x128xf32, #tpu.memory_space<hbm>>
        tpu.enqueue_indirect_dma source(%dma_start3A_172 : memref<10000x128xf32, #tpu.memory_space<hbm>>) target(%arg16 : memref<80x128xf32, #tpu.memory_space<vmem>>) offsets(%arg8 : memref<80xi32, #tpu.memory_space<vmem>>) semaphore(%arg27 : memref<!tpu.dma_semaphore, #tpu.memory_space<semaphore_mem>>)
      } else {
      }
    }
    %scan3A_55 = arith.constant 31 : i32
    %dma_wait3A_56 = arith.constant 0 : i32
    %dma_wait3A_57 = arith.constant 0 : i32
    %dma_wait3A_58 = tpu.memref_slice %arg2[%dma_wait3A_56, %dma_wait3A_57] : memref<10000x128xf32, #tpu.memory_space<hbm>> -> memref<10000x128xf32, #tpu.memory_space<hbm>>
    tpu.wait_indirect_dma semaphore(%arg26 : memref<!tpu.dma_semaphore, #tpu.memory_space<semaphore_mem>>) src(%dma_wait3A_58 : memref<10000x128xf32, #tpu.memory_space<hbm>>) dst(%arg15 : memref<80x128xf32, #tpu.memory_space<vmem>>)
    %dma_wait3A_59 = arith.constant 0 : i32
    %dma_wait3A_60 = tpu.memref_slice %arg4[%dma_wait3A_59] : memref<320000xi32, #tpu.memory_space<hbm>> -> memref<80xi32, #tpu.memory_space<hbm>>
    %dma_wait3A_61 = arith.constant 0 : i32
    %dma_wait3A_62 = tpu.memref_slice %arg4[%dma_wait3A_61] : memref<320000xi32, #tpu.memory_space<hbm>> -> memref<80xi32, #tpu.memory_space<hbm>>
    tpu.wait_dma2 semaphore(%arg22 : memref<!tpu.dma_semaphore, #tpu.memory_space<semaphore_mem>>) src(%dma_wait3A_62 : memref<80xi32, #tpu.memory_space<hbm>>) dst(%arg11 : memref<80xi32, #tpu.memory_space<vmem>>)
    "tpu.region"() ({
      %run_scoped3A = tpu.sem_alloc : memref<!tpu.dma_semaphore, #tpu.memory_space<semaphore_mem>>
      %dma_start3A_68 = arith.constant 0 : i32
      %dma_start3A_69 = arith.constant 0 : i32
      %dma_start3A_70 = tpu.memref_slice %arg17[%dma_start3A_68, %dma_start3A_69] : memref<10240x128xf32, #tpu.memory_space<vmem_shared>> -> memref<10240x128xf32, #tpu.memory_space<vmem_shared>>
      tpu.enqueue_indirect_dma source(%arg15 : memref<80x128xf32, #tpu.memory_space<vmem>>) target(%dma_start3A_70 : memref<10240x128xf32, #tpu.memory_space<vmem_shared>>) offsets(%arg11 : memref<80xi32, #tpu.memory_space<vmem>>) semaphore(%run_scoped3A : memref<!tpu.dma_semaphore, #tpu.memory_space<semaphore_mem>>) {add = true}
      %dma_wait3A_71 = arith.constant 0 : i32
      %dma_wait3A_72 = arith.constant 0 : i32
      %dma_wait3A_73 = tpu.memref_slice %arg17[%dma_wait3A_71, %dma_wait3A_72] : memref<10240x128xf32, #tpu.memory_space<vmem_shared>> -> memref<10240x128xf32, #tpu.memory_space<vmem_shared>>
      tpu.wait_indirect_dma semaphore(%run_scoped3A : memref<!tpu.dma_semaphore, #tpu.memory_space<semaphore_mem>>) src(%arg15 : memref<80x128xf32, #tpu.memory_space<vmem>>) dst(%dma_wait3A_73 : memref<10240x128xf32, #tpu.memory_space<vmem_shared>>)
      tpu.yield
    }) : () -> ()
    %barrier3A_63 = arith.constant 0 : index
    tpu.barrier barrier_id(%barrier3A_63)
    %mul3A_64 = arith.constant 640 : i32
    %mul3A_65 = arith.muli %arg1, %mul3A_64 : i32
    %mul3A_66 = arith.constant 640 : i32
    %mul3A_67 = arith.muli %arg1, %mul3A_66 : i32
    "tpu.region"() ({
      %run_scoped3A = tpu.sem_alloc : memref<!tpu.dma_semaphore, #tpu.memory_space<semaphore_mem>>
      %dma_start3A_68 = arith.constant 0 : i32
      %dma_start3A_69 = tpu.memref_slice %arg6[%arg0, %mul3A_67, %dma_start3A_68] : memref<2x10240x128xf32, #tpu.memory_space<hbm>> -> memref<1x640x128xf32, #tpu.memory_space<hbm>>
      %dma_start3A_70 = tpu.memref_squeeze %dma_start3A_69 : memref<1x640x128xf32, #tpu.memory_space<hbm>> -> memref<640x128xf32, #tpu.memory_space<hbm>>
      %dma_start3A_71 = arith.constant 0 : i32
      %dma_start3A_72 = tpu.memref_slice %arg17[%mul3A_65, %dma_start3A_71] : memref<10240x128xf32, #tpu.memory_space<vmem_shared>> -> memref<640x128xf32, #tpu.memory_space<vmem_shared>>
      tpu.enqueue_dma source(%dma_start3A_72 : memref<640x128xf32, #tpu.memory_space<vmem_shared>>) target(%dma_start3A_70 : memref<640x128xf32, #tpu.memory_space<hbm>>) target_semaphore(%run_scoped3A : memref<!tpu.dma_semaphore, #tpu.memory_space<semaphore_mem>>)
      %dma_wait3A_73 = arith.constant 0 : i32
      %dma_wait3A_74 = tpu.memref_slice %arg6[%arg0, %mul3A_67, %dma_wait3A_73] : memref<2x10240x128xf32, #tpu.memory_space<hbm>> -> memref<1x640x128xf32, #tpu.memory_space<hbm>>
      %dma_wait3A_75 = tpu.memref_squeeze %dma_wait3A_74 : memref<1x640x128xf32, #tpu.memory_space<hbm>> -> memref<640x128xf32, #tpu.memory_space<hbm>>
      %dma_wait3A_76 = arith.constant 0 : i32
      %dma_wait3A_77 = tpu.memref_slice %arg17[%mul3A_65, %dma_wait3A_76] : memref<10240x128xf32, #tpu.memory_space<vmem_shared>> -> memref<640x128xf32, #tpu.memory_space<vmem_shared>>
      tpu.wait_dma2 semaphore(%run_scoped3A : memref<!tpu.dma_semaphore, #tpu.memory_space<semaphore_mem>>) src(%dma_wait3A_77 : memref<640x128xf32, #tpu.memory_space<vmem_shared>>) dst(%dma_wait3A_75 : memref<640x128xf32, #tpu.memory_space<hbm>>)
      tpu.yield
    }) : () -> ()
    return
  }
}

#map = affine_map<(d0, d1) -> (0, 0)>
#map1 = affine_map<(d0, d1) -> (0, 0, 0)>
module attributes {stable_mosaic.version = 14 : i64} {
  func.func @deg(%arg0: i32, %arg1: i32, %arg2: memref<6400x100xi32, #tpu.memory_space<hbm>>, %arg3: memref<100x128xf32, #tpu.memory_space<hbm>>, %arg4: memref<10240x128xf32, #tpu.memory_space<hbm>>, %arg5: memref<2x10240x128xf32, #tpu.memory_space<hbm>>, %arg6: memref<200x100xi32, #tpu.memory_space<vmem>>, %arg7: memref<100x128xf32, #tpu.memory_space<vmem>>, %arg8: memref<10240x128xf32, #tpu.memory_space<vmem_shared>>, %arg9: memref<!tpu.dma_semaphore, #tpu.memory_space<semaphore_mem>>) attributes {dimension_semantics = [#tpu.dimension_semantics<core_parallel>, #tpu.dimension_semantics<subcore_parallel>], iteration_bounds = array<i64: 2, 16>, scalar_prefetch = 0 : i64, scratch_operands = 4 : i64, tpu.core_type = #tpu.core_type<sc_vector_subcore>, window_params = [{transform_indices = #map}, {transform_indices = #map}, {transform_indices = #map}, {transform_indices = #map1}]} {
    %mul3A = arith.constant 16 : i32
    %mul3A_0 = arith.muli %arg0, %mul3A : i32
    %add3A = arith.addi %mul3A_0, %arg1 : i32
    %mul3A_1 = arith.constant 640 : i32
    %mul3A_2 = arith.muli %arg1, %mul3A_1 : i32
    %mul3A_3 = arith.constant 640 : i32
    %mul3A_4 = arith.muli %arg1, %mul3A_3 : i32
    "tpu.region"() ({
      %run_scoped3A = tpu.sem_alloc : memref<!tpu.dma_semaphore, #tpu.memory_space<semaphore_mem>>
      %dma_start3A = arith.constant 0 : i32
      %dma_start3A_17 = tpu.memref_slice %arg8[%mul3A_4, %dma_start3A] : memref<10240x128xf32, #tpu.memory_space<vmem_shared>> -> memref<640x128xf32, #tpu.memory_space<vmem_shared>>
      %dma_start3A_18 = arith.constant 0 : i32
      %dma_start3A_19 = tpu.memref_slice %arg4[%mul3A_2, %dma_start3A_18] : memref<10240x128xf32, #tpu.memory_space<hbm>> -> memref<640x128xf32, #tpu.memory_space<hbm>>
      tpu.enqueue_dma source(%dma_start3A_19 : memref<640x128xf32, #tpu.memory_space<hbm>>) target(%dma_start3A_17 : memref<640x128xf32, #tpu.memory_space<vmem_shared>>) target_semaphore(%run_scoped3A : memref<!tpu.dma_semaphore, #tpu.memory_space<semaphore_mem>>)
      %dma_wait3A = arith.constant 0 : i32
      %dma_wait3A_20 = tpu.memref_slice %arg8[%mul3A_4, %dma_wait3A] : memref<10240x128xf32, #tpu.memory_space<vmem_shared>> -> memref<640x128xf32, #tpu.memory_space<vmem_shared>>
      %dma_wait3A_21 = arith.constant 0 : i32
      %dma_wait3A_22 = tpu.memref_slice %arg4[%mul3A_2, %dma_wait3A_21] : memref<10240x128xf32, #tpu.memory_space<hbm>> -> memref<640x128xf32, #tpu.memory_space<hbm>>
      tpu.wait_dma2 semaphore(%run_scoped3A : memref<!tpu.dma_semaphore, #tpu.memory_space<semaphore_mem>>) src(%dma_wait3A_22 : memref<640x128xf32, #tpu.memory_space<hbm>>) dst(%dma_wait3A_20 : memref<640x128xf32, #tpu.memory_space<vmem_shared>>)
      tpu.yield
    }) : () -> ()
    "tpu.region"() ({
      %run_scoped3A = tpu.sem_alloc : memref<!tpu.dma_semaphore, #tpu.memory_space<semaphore_mem>>
      tpu.enqueue_dma source(%arg3 : memref<100x128xf32, #tpu.memory_space<hbm>>) target(%arg7 : memref<100x128xf32, #tpu.memory_space<vmem>>) target_semaphore(%run_scoped3A : memref<!tpu.dma_semaphore, #tpu.memory_space<semaphore_mem>>)
      tpu.wait_dma2 semaphore(%run_scoped3A : memref<!tpu.dma_semaphore, #tpu.memory_space<semaphore_mem>>) src(%arg3 : memref<100x128xf32, #tpu.memory_space<hbm>>) dst(%arg7 : memref<100x128xf32, #tpu.memory_space<vmem>>)
      tpu.yield
    }) : () -> ()
    %mul3A_5 = arith.constant 200 : i32
    %mul3A_6 = arith.muli %add3A, %mul3A_5 : i32
    "tpu.region"() ({
      %run_scoped3A = tpu.sem_alloc : memref<!tpu.dma_semaphore, #tpu.memory_space<semaphore_mem>>
      %dma_start3A = arith.constant 0 : i32
      %dma_start3A_17 = tpu.memref_slice %arg2[%mul3A_6, %dma_start3A] : memref<6400x100xi32, #tpu.memory_space<hbm>> -> memref<200x100xi32, #tpu.memory_space<hbm>>
      %dma_start3A_18 = arith.constant 0 : i32
      %dma_start3A_19 = tpu.memref_slice %arg2[%mul3A_6, %dma_start3A_18] : memref<6400x100xi32, #tpu.memory_space<hbm>> -> memref<200x100xi32, #tpu.memory_space<hbm>>
      tpu.enqueue_dma source(%dma_start3A_19 : memref<200x100xi32, #tpu.memory_space<hbm>>) target(%arg6 : memref<200x100xi32, #tpu.memory_space<vmem>>) target_semaphore(%run_scoped3A : memref<!tpu.dma_semaphore, #tpu.memory_space<semaphore_mem>>)
      %dma_wait3A = arith.constant 0 : i32
      %dma_wait3A_20 = tpu.memref_slice %arg2[%mul3A_6, %dma_wait3A] : memref<6400x100xi32, #tpu.memory_space<hbm>> -> memref<200x100xi32, #tpu.memory_space<hbm>>
      %dma_wait3A_21 = arith.constant 0 : i32
      %dma_wait3A_22 = tpu.memref_slice %arg2[%mul3A_6, %dma_wait3A_21] : memref<6400x100xi32, #tpu.memory_space<hbm>> -> memref<200x100xi32, #tpu.memory_space<hbm>>
      tpu.wait_dma2 semaphore(%run_scoped3A : memref<!tpu.dma_semaphore, #tpu.memory_space<semaphore_mem>>) src(%dma_wait3A_22 : memref<200x100xi32, #tpu.memory_space<hbm>>) dst(%arg6 : memref<200x100xi32, #tpu.memory_space<vmem>>)
      tpu.yield
    }) : () -> ()
    %barrier3A = arith.constant 0 : index
    tpu.barrier barrier_id(%barrier3A)
    %scan3A = arith.constant 0 : i32
    %scan3A_7 = arith.constant 0 : i32
    %scan3A_8 = arith.constant 25 : i32
    %scan3A_9 = arith.addi %scan3A_7, %scan3A_8 : i32
    %scan3A_10 = arith.constant 1 : i32
    scf.for %scan3A_17 = %scan3A_7 to %scan3A_9 step %scan3A_10  : i32 {
      %mul3A_18 = arith.constant 8 : i32
      %mul3A_19 = arith.muli %scan3A_17, %mul3A_18 : i32
      %add3A_20 = arith.constant 0 : i32
      %add3A_21 = arith.addi %mul3A_19, %add3A_20 : i32
      %dma_start3A = arith.constant 0 : i32
      %dma_start3A_22 = tpu.memref_slice %arg6[%add3A_21, %dma_start3A] : memref<200x100xi32, #tpu.memory_space<vmem>> -> memref<1x100xi32, #tpu.memory_space<vmem>>
      %dma_start3A_23 = tpu.memref_squeeze %dma_start3A_22 : memref<1x100xi32, #tpu.memory_space<vmem>> -> memref<100xi32, #tpu.memory_space<vmem>>
      %dma_start3A_24 = arith.constant 0 : i32
      %dma_start3A_25 = arith.constant 0 : i32
      %dma_start3A_26 = tpu.memref_slice %arg8[%dma_start3A_24, %dma_start3A_25] : memref<10240x128xf32, #tpu.memory_space<vmem_shared>> -> memref<10240x128xf32, #tpu.memory_space<vmem_shared>>
      tpu.enqueue_indirect_dma source(%arg7 : memref<100x128xf32, #tpu.memory_space<vmem>>) target(%dma_start3A_26 : memref<10240x128xf32, #tpu.memory_space<vmem_shared>>) offsets(%dma_start3A_23 : memref<100xi32, #tpu.memory_space<vmem>>) semaphore(%arg9 : memref<!tpu.dma_semaphore, #tpu.memory_space<semaphore_mem>>) {add = true}
      %mul3A_27 = arith.constant 8 : i32
      %mul3A_28 = arith.muli %scan3A_17, %mul3A_27 : i32
      %add3A_29 = arith.constant 1 : i32
      %add3A_30 = arith.addi %mul3A_28, %add3A_29 : i32
      %dma_start3A_31 = arith.constant 0 : i32
      %dma_start3A_32 = tpu.memref_slice %arg6[%add3A_30, %dma_start3A_31] : memref<200x100xi32, #tpu.memory_space<vmem>> -> memref<1x100xi32, #tpu.memory_space<vmem>>
      %dma_start3A_33 = tpu.memref_squeeze %dma_start3A_32 : memref<1x100xi32, #tpu.memory_space<vmem>> -> memref<100xi32, #tpu.memory_space<vmem>>
      %dma_start3A_34 = arith.constant 0 : i32
      %dma_start3A_35 = arith.constant 0 : i32
      %dma_start3A_36 = tpu.memref_slice %arg8[%dma_start3A_34, %dma_start3A_35] : memref<10240x128xf32, #tpu.memory_space<vmem_shared>> -> memref<10240x128xf32, #tpu.memory_space<vmem_shared>>
      tpu.enqueue_indirect_dma source(%arg7 : memref<100x128xf32, #tpu.memory_space<vmem>>) target(%dma_start3A_36 : memref<10240x128xf32, #tpu.memory_space<vmem_shared>>) offsets(%dma_start3A_33 : memref<100xi32, #tpu.memory_space<vmem>>) semaphore(%arg9 : memref<!tpu.dma_semaphore, #tpu.memory_space<semaphore_mem>>) {add = true}
      %mul3A_37 = arith.constant 8 : i32
      %mul3A_38 = arith.muli %scan3A_17, %mul3A_37 : i32
      %add3A_39 = arith.constant 2 : i32
      %add3A_40 = arith.addi %mul3A_38, %add3A_39 : i32
      %dma_start3A_41 = arith.constant 0 : i32
      %dma_start3A_42 = tpu.memref_slice %arg6[%add3A_40, %dma_start3A_41] : memref<200x100xi32, #tpu.memory_space<vmem>> -> memref<1x100xi32, #tpu.memory_space<vmem>>
      %dma_start3A_43 = tpu.memref_squeeze %dma_start3A_42 : memref<1x100xi32, #tpu.memory_space<vmem>> -> memref<100xi32, #tpu.memory_space<vmem>>
      %dma_start3A_44 = arith.constant 0 : i32
      %dma_start3A_45 = arith.constant 0 : i32
      %dma_start3A_46 = tpu.memref_slice %arg8[%dma_start3A_44, %dma_start3A_45] : memref<10240x128xf32, #tpu.memory_space<vmem_shared>> -> memref<10240x128xf32, #tpu.memory_space<vmem_shared>>
      tpu.enqueue_indirect_dma source(%arg7 : memref<100x128xf32, #tpu.memory_space<vmem>>) target(%dma_start3A_46 : memref<10240x128xf32, #tpu.memory_space<vmem_shared>>) offsets(%dma_start3A_43 : memref<100xi32, #tpu.memory_space<vmem>>) semaphore(%arg9 : memref<!tpu.dma_semaphore, #tpu.memory_space<semaphore_mem>>) {add = true}
      %mul3A_47 = arith.constant 8 : i32
      %mul3A_48 = arith.muli %scan3A_17, %mul3A_47 : i32
      %add3A_49 = arith.constant 3 : i32
      %add3A_50 = arith.addi %mul3A_48, %add3A_49 : i32
      %dma_start3A_51 = arith.constant 0 : i32
      %dma_start3A_52 = tpu.memref_slice %arg6[%add3A_50, %dma_start3A_51] : memref<200x100xi32, #tpu.memory_space<vmem>> -> memref<1x100xi32, #tpu.memory_space<vmem>>
      %dma_start3A_53 = tpu.memref_squeeze %dma_start3A_52 : memref<1x100xi32, #tpu.memory_space<vmem>> -> memref<100xi32, #tpu.memory_space<vmem>>
      %dma_start3A_54 = arith.constant 0 : i32
      %dma_start3A_55 = arith.constant 0 : i32
      %dma_start3A_56 = tpu.memref_slice %arg8[%dma_start3A_54, %dma_start3A_55] : memref<10240x128xf32, #tpu.memory_space<vmem_shared>> -> memref<10240x128xf32, #tpu.memory_space<vmem_shared>>
      tpu.enqueue_indirect_dma source(%arg7 : memref<100x128xf32, #tpu.memory_space<vmem>>) target(%dma_start3A_56 : memref<10240x128xf32, #tpu.memory_space<vmem_shared>>) offsets(%dma_start3A_53 : memref<100xi32, #tpu.memory_space<vmem>>) semaphore(%arg9 : memref<!tpu.dma_semaphore, #tpu.memory_space<semaphore_mem>>) {add = true}
      %mul3A_57 = arith.constant 8 : i32
      %mul3A_58 = arith.muli %scan3A_17, %mul3A_57 : i32
      %add3A_59 = arith.constant 4 : i32
      %add3A_60 = arith.addi %mul3A_58, %add3A_59 : i32
      %dma_start3A_61 = arith.constant 0 : i32
      %dma_start3A_62 = tpu.memref_slice %arg6[%add3A_60, %dma_start3A_61] : memref<200x100xi32, #tpu.memory_space<vmem>> -> memref<1x100xi32, #tpu.memory_space<vmem>>
      %dma_start3A_63 = tpu.memref_squeeze %dma_start3A_62 : memref<1x100xi32, #tpu.memory_space<vmem>> -> memref<100xi32, #tpu.memory_space<vmem>>
      %dma_start3A_64 = arith.constant 0 : i32
      %dma_start3A_65 = arith.constant 0 : i32
      %dma_start3A_66 = tpu.memref_slice %arg8[%dma_start3A_64, %dma_start3A_65] : memref<10240x128xf32, #tpu.memory_space<vmem_shared>> -> memref<10240x128xf32, #tpu.memory_space<vmem_shared>>
      tpu.enqueue_indirect_dma source(%arg7 : memref<100x128xf32, #tpu.memory_space<vmem>>) target(%dma_start3A_66 : memref<10240x128xf32, #tpu.memory_space<vmem_shared>>) offsets(%dma_start3A_63 : memref<100xi32, #tpu.memory_space<vmem>>) semaphore(%arg9 : memref<!tpu.dma_semaphore, #tpu.memory_space<semaphore_mem>>) {add = true}
      %mul3A_67 = arith.constant 8 : i32
      %mul3A_68 = arith.muli %scan3A_17, %mul3A_67 : i32
      %add3A_69 = arith.constant 5 : i32
      %add3A_70 = arith.addi %mul3A_68, %add3A_69 : i32
      %dma_start3A_71 = arith.constant 0 : i32
      %dma_start3A_72 = tpu.memref_slice %arg6[%add3A_70, %dma_start3A_71] : memref<200x100xi32, #tpu.memory_space<vmem>> -> memref<1x100xi32, #tpu.memory_space<vmem>>
      %dma_start3A_73 = tpu.memref_squeeze %dma_start3A_72 : memref<1x100xi32, #tpu.memory_space<vmem>> -> memref<100xi32, #tpu.memory_space<vmem>>
      %dma_start3A_74 = arith.constant 0 : i32
      %dma_start3A_75 = arith.constant 0 : i32
      %dma_start3A_76 = tpu.memref_slice %arg8[%dma_start3A_74, %dma_start3A_75] : memref<10240x128xf32, #tpu.memory_space<vmem_shared>> -> memref<10240x128xf32, #tpu.memory_space<vmem_shared>>
      tpu.enqueue_indirect_dma source(%arg7 : memref<100x128xf32, #tpu.memory_space<vmem>>) target(%dma_start3A_76 : memref<10240x128xf32, #tpu.memory_space<vmem_shared>>) offsets(%dma_start3A_73 : memref<100xi32, #tpu.memory_space<vmem>>) semaphore(%arg9 : memref<!tpu.dma_semaphore, #tpu.memory_space<semaphore_mem>>) {add = true}
      %mul3A_77 = arith.constant 8 : i32
      %mul3A_78 = arith.muli %scan3A_17, %mul3A_77 : i32
      %add3A_79 = arith.constant 6 : i32
      %add3A_80 = arith.addi %mul3A_78, %add3A_79 : i32
      %dma_start3A_81 = arith.constant 0 : i32
      %dma_start3A_82 = tpu.memref_slice %arg6[%add3A_80, %dma_start3A_81] : memref<200x100xi32, #tpu.memory_space<vmem>> -> memref<1x100xi32, #tpu.memory_space<vmem>>
      %dma_start3A_83 = tpu.memref_squeeze %dma_start3A_82 : memref<1x100xi32, #tpu.memory_space<vmem>> -> memref<100xi32, #tpu.memory_space<vmem>>
      %dma_start3A_84 = arith.constant 0 : i32
      %dma_start3A_85 = arith.constant 0 : i32
      %dma_start3A_86 = tpu.memref_slice %arg8[%dma_start3A_84, %dma_start3A_85] : memref<10240x128xf32, #tpu.memory_space<vmem_shared>> -> memref<10240x128xf32, #tpu.memory_space<vmem_shared>>
      tpu.enqueue_indirect_dma source(%arg7 : memref<100x128xf32, #tpu.memory_space<vmem>>) target(%dma_start3A_86 : memref<10240x128xf32, #tpu.memory_space<vmem_shared>>) offsets(%dma_start3A_83 : memref<100xi32, #tpu.memory_space<vmem>>) semaphore(%arg9 : memref<!tpu.dma_semaphore, #tpu.memory_space<semaphore_mem>>) {add = true}
      %mul3A_87 = arith.constant 8 : i32
      %mul3A_88 = arith.muli %scan3A_17, %mul3A_87 : i32
      %add3A_89 = arith.constant 7 : i32
      %add3A_90 = arith.addi %mul3A_88, %add3A_89 : i32
      %dma_start3A_91 = arith.constant 0 : i32
      %dma_start3A_92 = tpu.memref_slice %arg6[%add3A_90, %dma_start3A_91] : memref<200x100xi32, #tpu.memory_space<vmem>> -> memref<1x100xi32, #tpu.memory_space<vmem>>
      %dma_start3A_93 = tpu.memref_squeeze %dma_start3A_92 : memref<1x100xi32, #tpu.memory_space<vmem>> -> memref<100xi32, #tpu.memory_space<vmem>>
      %dma_start3A_94 = arith.constant 0 : i32
      %dma_start3A_95 = arith.constant 0 : i32
      %dma_start3A_96 = tpu.memref_slice %arg8[%dma_start3A_94, %dma_start3A_95] : memref<10240x128xf32, #tpu.memory_space<vmem_shared>> -> memref<10240x128xf32, #tpu.memory_space<vmem_shared>>
      tpu.enqueue_indirect_dma source(%arg7 : memref<100x128xf32, #tpu.memory_space<vmem>>) target(%dma_start3A_96 : memref<10240x128xf32, #tpu.memory_space<vmem_shared>>) offsets(%dma_start3A_93 : memref<100xi32, #tpu.memory_space<vmem>>) semaphore(%arg9 : memref<!tpu.dma_semaphore, #tpu.memory_space<semaphore_mem>>) {add = true}
      %dma_wait3A = arith.constant 0 : i32
      %dma_wait3A_97 = tpu.memref_slice %arg6[%add3A_21, %dma_wait3A] : memref<200x100xi32, #tpu.memory_space<vmem>> -> memref<1x100xi32, #tpu.memory_space<vmem>>
      %dma_wait3A_98 = tpu.memref_squeeze %dma_wait3A_97 : memref<1x100xi32, #tpu.memory_space<vmem>> -> memref<100xi32, #tpu.memory_space<vmem>>
      %dma_wait3A_99 = arith.constant 0 : i32
      %dma_wait3A_100 = arith.constant 0 : i32
      %dma_wait3A_101 = tpu.memref_slice %arg8[%dma_wait3A_99, %dma_wait3A_100] : memref<10240x128xf32, #tpu.memory_space<vmem_shared>> -> memref<10240x128xf32, #tpu.memory_space<vmem_shared>>
      tpu.wait_indirect_dma semaphore(%arg9 : memref<!tpu.dma_semaphore, #tpu.memory_space<semaphore_mem>>) src(%arg7 : memref<100x128xf32, #tpu.memory_space<vmem>>) dst(%dma_wait3A_101 : memref<10240x128xf32, #tpu.memory_space<vmem_shared>>)
      %dma_wait3A_102 = arith.constant 0 : i32
      %dma_wait3A_103 = tpu.memref_slice %arg6[%add3A_30, %dma_wait3A_102] : memref<200x100xi32, #tpu.memory_space<vmem>> -> memref<1x100xi32, #tpu.memory_space<vmem>>
      %dma_wait3A_104 = tpu.memref_squeeze %dma_wait3A_103 : memref<1x100xi32, #tpu.memory_space<vmem>> -> memref<100xi32, #tpu.memory_space<vmem>>
      %dma_wait3A_105 = arith.constant 0 : i32
      %dma_wait3A_106 = arith.constant 0 : i32
      %dma_wait3A_107 = tpu.memref_slice %arg8[%dma_wait3A_105, %dma_wait3A_106] : memref<10240x128xf32, #tpu.memory_space<vmem_shared>> -> memref<10240x128xf32, #tpu.memory_space<vmem_shared>>
      tpu.wait_indirect_dma semaphore(%arg9 : memref<!tpu.dma_semaphore, #tpu.memory_space<semaphore_mem>>) src(%arg7 : memref<100x128xf32, #tpu.memory_space<vmem>>) dst(%dma_wait3A_107 : memref<10240x128xf32, #tpu.memory_space<vmem_shared>>)
      %dma_wait3A_108 = arith.constant 0 : i32
      %dma_wait3A_109 = tpu.memref_slice %arg6[%add3A_40, %dma_wait3A_108] : memref<200x100xi32, #tpu.memory_space<vmem>> -> memref<1x100xi32, #tpu.memory_space<vmem>>
      %dma_wait3A_110 = tpu.memref_squeeze %dma_wait3A_109 : memref<1x100xi32, #tpu.memory_space<vmem>> -> memref<100xi32, #tpu.memory_space<vmem>>
      %dma_wait3A_111 = arith.constant 0 : i32
      %dma_wait3A_112 = arith.constant 0 : i32
      %dma_wait3A_113 = tpu.memref_slice %arg8[%dma_wait3A_111, %dma_wait3A_112] : memref<10240x128xf32, #tpu.memory_space<vmem_shared>> -> memref<10240x128xf32, #tpu.memory_space<vmem_shared>>
      tpu.wait_indirect_dma semaphore(%arg9 : memref<!tpu.dma_semaphore, #tpu.memory_space<semaphore_mem>>) src(%arg7 : memref<100x128xf32, #tpu.memory_space<vmem>>) dst(%dma_wait3A_113 : memref<10240x128xf32, #tpu.memory_space<vmem_shared>>)
      %dma_wait3A_114 = arith.constant 0 : i32
      %dma_wait3A_115 = tpu.memref_slice %arg6[%add3A_50, %dma_wait3A_114] : memref<200x100xi32, #tpu.memory_space<vmem>> -> memref<1x100xi32, #tpu.memory_space<vmem>>
      %dma_wait3A_116 = tpu.memref_squeeze %dma_wait3A_115 : memref<1x100xi32, #tpu.memory_space<vmem>> -> memref<100xi32, #tpu.memory_space<vmem>>
      %dma_wait3A_117 = arith.constant 0 : i32
      %dma_wait3A_118 = arith.constant 0 : i32
      %dma_wait3A_119 = tpu.memref_slice %arg8[%dma_wait3A_117, %dma_wait3A_118] : memref<10240x128xf32, #tpu.memory_space<vmem_shared>> -> memref<10240x128xf32, #tpu.memory_space<vmem_shared>>
      tpu.wait_indirect_dma semaphore(%arg9 : memref<!tpu.dma_semaphore, #tpu.memory_space<semaphore_mem>>) src(%arg7 : memref<100x128xf32, #tpu.memory_space<vmem>>) dst(%dma_wait3A_119 : memref<10240x128xf32, #tpu.memory_space<vmem_shared>>)
      %dma_wait3A_120 = arith.constant 0 : i32
      %dma_wait3A_121 = tpu.memref_slice %arg6[%add3A_60, %dma_wait3A_120] : memref<200x100xi32, #tpu.memory_space<vmem>> -> memref<1x100xi32, #tpu.memory_space<vmem>>
      %dma_wait3A_122 = tpu.memref_squeeze %dma_wait3A_121 : memref<1x100xi32, #tpu.memory_space<vmem>> -> memref<100xi32, #tpu.memory_space<vmem>>
      %dma_wait3A_123 = arith.constant 0 : i32
      %dma_wait3A_124 = arith.constant 0 : i32
      %dma_wait3A_125 = tpu.memref_slice %arg8[%dma_wait3A_123, %dma_wait3A_124] : memref<10240x128xf32, #tpu.memory_space<vmem_shared>> -> memref<10240x128xf32, #tpu.memory_space<vmem_shared>>
      tpu.wait_indirect_dma semaphore(%arg9 : memref<!tpu.dma_semaphore, #tpu.memory_space<semaphore_mem>>) src(%arg7 : memref<100x128xf32, #tpu.memory_space<vmem>>) dst(%dma_wait3A_125 : memref<10240x128xf32, #tpu.memory_space<vmem_shared>>)
      %dma_wait3A_126 = arith.constant 0 : i32
      %dma_wait3A_127 = tpu.memref_slice %arg6[%add3A_70, %dma_wait3A_126] : memref<200x100xi32, #tpu.memory_space<vmem>> -> memref<1x100xi32, #tpu.memory_space<vmem>>
      %dma_wait3A_128 = tpu.memref_squeeze %dma_wait3A_127 : memref<1x100xi32, #tpu.memory_space<vmem>> -> memref<100xi32, #tpu.memory_space<vmem>>
      %dma_wait3A_129 = arith.constant 0 : i32
      %dma_wait3A_130 = arith.constant 0 : i32
      %dma_wait3A_131 = tpu.memref_slice %arg8[%dma_wait3A_129, %dma_wait3A_130] : memref<10240x128xf32, #tpu.memory_space<vmem_shared>> -> memref<10240x128xf32, #tpu.memory_space<vmem_shared>>
      tpu.wait_indirect_dma semaphore(%arg9 : memref<!tpu.dma_semaphore, #tpu.memory_space<semaphore_mem>>) src(%arg7 : memref<100x128xf32, #tpu.memory_space<vmem>>) dst(%dma_wait3A_131 : memref<10240x128xf32, #tpu.memory_space<vmem_shared>>)
      %dma_wait3A_132 = arith.constant 0 : i32
      %dma_wait3A_133 = tpu.memref_slice %arg6[%add3A_80, %dma_wait3A_132] : memref<200x100xi32, #tpu.memory_space<vmem>> -> memref<1x100xi32, #tpu.memory_space<vmem>>
      %dma_wait3A_134 = tpu.memref_squeeze %dma_wait3A_133 : memref<1x100xi32, #tpu.memory_space<vmem>> -> memref<100xi32, #tpu.memory_space<vmem>>
      %dma_wait3A_135 = arith.constant 0 : i32
      %dma_wait3A_136 = arith.constant 0 : i32
      %dma_wait3A_137 = tpu.memref_slice %arg8[%dma_wait3A_135, %dma_wait3A_136] : memref<10240x128xf32, #tpu.memory_space<vmem_shared>> -> memref<10240x128xf32, #tpu.memory_space<vmem_shared>>
      tpu.wait_indirect_dma semaphore(%arg9 : memref<!tpu.dma_semaphore, #tpu.memory_space<semaphore_mem>>) src(%arg7 : memref<100x128xf32, #tpu.memory_space<vmem>>) dst(%dma_wait3A_137 : memref<10240x128xf32, #tpu.memory_space<vmem_shared>>)
      %dma_wait3A_138 = arith.constant 0 : i32
      %dma_wait3A_139 = tpu.memref_slice %arg6[%add3A_90, %dma_wait3A_138] : memref<200x100xi32, #tpu.memory_space<vmem>> -> memref<1x100xi32, #tpu.memory_space<vmem>>
      %dma_wait3A_140 = tpu.memref_squeeze %dma_wait3A_139 : memref<1x100xi32, #tpu.memory_space<vmem>> -> memref<100xi32, #tpu.memory_space<vmem>>
      %dma_wait3A_141 = arith.constant 0 : i32
      %dma_wait3A_142 = arith.constant 0 : i32
      %dma_wait3A_143 = tpu.memref_slice %arg8[%dma_wait3A_141, %dma_wait3A_142] : memref<10240x128xf32, #tpu.memory_space<vmem_shared>> -> memref<10240x128xf32, #tpu.memory_space<vmem_shared>>
      tpu.wait_indirect_dma semaphore(%arg9 : memref<!tpu.dma_semaphore, #tpu.memory_space<semaphore_mem>>) src(%arg7 : memref<100x128xf32, #tpu.memory_space<vmem>>) dst(%dma_wait3A_143 : memref<10240x128xf32, #tpu.memory_space<vmem_shared>>)
    }
    %scan3A_11 = arith.constant 25 : i32
    %barrier3A_12 = arith.constant 0 : index
    tpu.barrier barrier_id(%barrier3A_12)
    %mul3A_13 = arith.constant 640 : i32
    %mul3A_14 = arith.muli %arg1, %mul3A_13 : i32
    %mul3A_15 = arith.constant 640 : i32
    %mul3A_16 = arith.muli %arg1, %mul3A_15 : i32
    "tpu.region"() ({
      %run_scoped3A = tpu.sem_alloc : memref<!tpu.dma_semaphore, #tpu.memory_space<semaphore_mem>>
      %dma_start3A = arith.constant 0 : i32
      %dma_start3A_17 = tpu.memref_slice %arg5[%arg0, %mul3A_16, %dma_start3A] : memref<2x10240x128xf32, #tpu.memory_space<hbm>> -> memref<1x640x128xf32, #tpu.memory_space<hbm>>
      %dma_start3A_18 = tpu.memref_squeeze %dma_start3A_17 : memref<1x640x128xf32, #tpu.memory_space<hbm>> -> memref<640x128xf32, #tpu.memory_space<hbm>>
      %dma_start3A_19 = arith.constant 0 : i32
      %dma_start3A_20 = tpu.memref_slice %arg8[%mul3A_14, %dma_start3A_19] : memref<10240x128xf32, #tpu.memory_space<vmem_shared>> -> memref<640x128xf32, #tpu.memory_space<vmem_shared>>
      tpu.enqueue_dma source(%dma_start3A_20 : memref<640x128xf32, #tpu.memory_space<vmem_shared>>) target(%dma_start3A_18 : memref<640x128xf32, #tpu.memory_space<hbm>>) target_semaphore(%run_scoped3A : memref<!tpu.dma_semaphore, #tpu.memory_space<semaphore_mem>>)
      %dma_wait3A = arith.constant 0 : i32
      %dma_wait3A_21 = tpu.memref_slice %arg5[%arg0, %mul3A_16, %dma_wait3A] : memref<2x10240x128xf32, #tpu.memory_space<hbm>> -> memref<1x640x128xf32, #tpu.memory_space<hbm>>
      %dma_wait3A_22 = tpu.memref_squeeze %dma_wait3A_21 : memref<1x640x128xf32, #tpu.memory_space<hbm>> -> memref<640x128xf32, #tpu.memory_space<hbm>>
      %dma_wait3A_23 = arith.constant 0 : i32
      %dma_wait3A_24 = tpu.memref_slice %arg8[%mul3A_14, %dma_wait3A_23] : memref<10240x128xf32, #tpu.memory_space<vmem_shared>> -> memref<640x128xf32, #tpu.memory_space<vmem_shared>>
      tpu.wait_dma2 semaphore(%run_scoped3A : memref<!tpu.dma_semaphore, #tpu.memory_space<semaphore_mem>>) src(%dma_wait3A_24 : memref<640x128xf32, #tpu.memory_space<vmem_shared>>) dst(%dma_wait3A_22 : memref<640x128xf32, #tpu.memory_space<hbm>>)
      tpu.yield
    }) : () -> ()
    return
  }
}

#map = affine_map<(d0, d1) -> (0, 0)>
#map1 = affine_map<(d0, d1) -> (0)>
#map2 = affine_map<(d0, d1) -> (0, 0, 0)>
module attributes {stable_mosaic.version = 14 : i64} {
  func.func @seg(%arg0: i32, %arg1: i32, %arg2: memref<10000x128xf32, #tpu.memory_space<hbm>>, %arg3: memref<320000xi32, #tpu.memory_space<hbm>>, %arg4: memref<320000xi32, #tpu.memory_space<hbm>>, %arg5: memref<10240x128xf32, #tpu.memory_space<hbm>>, %arg6: memref<2x10240x128xf32, #tpu.memory_space<hbm>>, %arg7: memref<80xi32, #tpu.memory_space<vmem>>, %arg8: memref<80xi32, #tpu.memory_space<vmem>>, %arg9: memref<80xi32, #tpu.memory_space<vmem>>, %arg10: memref<80xi32, #tpu.memory_space<vmem>>, %arg11: memref<80xi32, #tpu.memory_space<vmem>>, %arg12: memref<80xi32, #tpu.memory_space<vmem>>, %arg13: memref<80xi32, #tpu.memory_space<vmem>>, %arg14: memref<80xi32, #tpu.memory_space<vmem>>, %arg15: memref<80x128xf32, #tpu.memory_space<vmem>>, %arg16: memref<80x128xf32, #tpu.memory_space<vmem>>, %arg17: memref<10240x128xf32, #tpu.memory_space<vmem_shared>>, %arg18: memref<!tpu.dma_semaphore, #tpu.memory_space<semaphore_mem>>, %arg19: memref<!tpu.dma_semaphore, #tpu.memory_space<semaphore_mem>>, %arg20: memref<!tpu.dma_semaphore, #tpu.memory_space<semaphore_mem>>, %arg21: memref<!tpu.dma_semaphore, #tpu.memory_space<semaphore_mem>>, %arg22: memref<!tpu.dma_semaphore, #tpu.memory_space<semaphore_mem>>, %arg23: memref<!tpu.dma_semaphore, #tpu.memory_space<semaphore_mem>>, %arg24: memref<!tpu.dma_semaphore, #tpu.memory_space<semaphore_mem>>, %arg25: memref<!tpu.dma_semaphore, #tpu.memory_space<semaphore_mem>>, %arg26: memref<!tpu.dma_semaphore, #tpu.memory_space<semaphore_mem>>, %arg27: memref<!tpu.dma_semaphore, #tpu.memory_space<semaphore_mem>>) attributes {dimension_semantics = [#tpu.dimension_semantics<core_parallel>, #tpu.dimension_semantics<subcore_parallel>], iteration_bounds = array<i64: 2, 16>, scalar_prefetch = 0 : i64, scratch_operands = 21 : i64, tpu.core_type = #tpu.core_type<sc_vector_subcore>, window_params = [{transform_indices = #map}, {transform_indices = #map1}, {transform_indices = #map1}, {transform_indices = #map}, {transform_indices = #map2}]} {
    %mul3A = arith.constant 2 : i32
    %mul3A_0 = arith.muli %arg1, %mul3A : i32
    %add3A = arith.addi %mul3A_0, %arg0 : i32
    %mul3A_1 = arith.constant 10000 : i32
    %mul3A_2 = arith.muli %add3A, %mul3A_1 : i32
    %mul3A_3 = arith.constant 640 : i32
    %mul3A_4 = arith.muli %arg1, %mul3A_3 : i32
    %mul3A_5 = arith.constant 640 : i32
    %mul3A_6 = arith.muli %arg1, %mul3A_5 : i32
    "tpu.region"() ({
      %run_scoped3A = tpu.sem_alloc : memref<!tpu.dma_semaphore, #tpu.memory_space<semaphore_mem>>
      %dma_start3A_68 = arith.constant 0 : i32
      %dma_start3A_69 = tpu.memref_slice %arg17[%mul3A_6, %dma_start3A_68] : memref<10240x128xf32, #tpu.memory_space<vmem_shared>> -> memref<640x128xf32, #tpu.memory_space<vmem_shared>>
      %dma_start3A_70 = arith.constant 0 : i32
      %dma_start3A_71 = tpu.memref_slice %arg5[%mul3A_4, %dma_start3A_70] : memref<10240x128xf32, #tpu.memory_space<hbm>> -> memref<640x128xf32, #tpu.memory_space<hbm>>
      tpu.enqueue_dma source(%dma_start3A_71 : memref<640x128xf32, #tpu.memory_space<hbm>>) target(%dma_start3A_69 : memref<640x128xf32, #tpu.memory_space<vmem_shared>>) target_semaphore(%run_scoped3A : memref<!tpu.dma_semaphore, #tpu.memory_space<semaphore_mem>>)
      %dma_wait3A_72 = arith.constant 0 : i32
      %dma_wait3A_73 = tpu.memref_slice %arg17[%mul3A_6, %dma_wait3A_72] : memref<10240x128xf32, #tpu.memory_space<vmem_shared>> -> memref<640x128xf32, #tpu.memory_space<vmem_shared>>
      %dma_wait3A_74 = arith.constant 0 : i32
      %dma_wait3A_75 = tpu.memref_slice %arg5[%mul3A_4, %dma_wait3A_74] : memref<10240x128xf32, #tpu.memory_space<hbm>> -> memref<640x128xf32, #tpu.memory_space<hbm>>
      tpu.wait_dma2 semaphore(%run_scoped3A : memref<!tpu.dma_semaphore, #tpu.memory_space<semaphore_mem>>) src(%dma_wait3A_75 : memref<640x128xf32, #tpu.memory_space<hbm>>) dst(%dma_wait3A_73 : memref<640x128xf32, #tpu.memory_space<vmem_shared>>)
      tpu.yield
    }) : () -> ()
    %barrier3A = arith.constant 0 : index
    tpu.barrier barrier_id(%barrier3A)
    %add3A_7 = arith.constant 0 : i32
    %add3A_8 = arith.addi %mul3A_2, %add3A_7 : i32
    %dma_start3A = tpu.memref_slice %arg3[%add3A_8] : memref<320000xi32, #tpu.memory_space<hbm>> -> memref<80xi32, #tpu.memory_space<hbm>>
    %dma_start3A_9 = tpu.memref_slice %arg3[%add3A_8] : memref<320000xi32, #tpu.memory_space<hbm>> -> memref<80xi32, #tpu.memory_space<hbm>>
    tpu.enqueue_dma source(%dma_start3A_9 : memref<80xi32, #tpu.memory_space<hbm>>) target(%arg7 : memref<80xi32, #tpu.memory_space<vmem>>) target_semaphore(%arg18 : memref<!tpu.dma_semaphore, #tpu.memory_space<semaphore_mem>>)
    %add3A_10 = arith.constant 0 : i32
    %add3A_11 = arith.addi %mul3A_2, %add3A_10 : i32
    %dma_start3A_12 = tpu.memref_slice %arg4[%add3A_11] : memref<320000xi32, #tpu.memory_space<hbm>> -> memref<80xi32, #tpu.memory_space<hbm>>
    %dma_start3A_13 = tpu.memref_slice %arg4[%add3A_11] : memref<320000xi32, #tpu.memory_space<hbm>> -> memref<80xi32, #tpu.memory_space<hbm>>
    tpu.enqueue_dma source(%dma_start3A_13 : memref<80xi32, #tpu.memory_space<hbm>>) target(%arg11 : memref<80xi32, #tpu.memory_space<vmem>>) target_semaphore(%arg22 : memref<!tpu.dma_semaphore, #tpu.memory_space<semaphore_mem>>)
    %add3A_14 = arith.constant 80 : i32
    %add3A_15 = arith.addi %mul3A_2, %add3A_14 : i32
    %dma_start3A_16 = tpu.memref_slice %arg3[%add3A_15] : memref<320000xi32, #tpu.memory_space<hbm>> -> memref<80xi32, #tpu.memory_space<hbm>>
    %dma_start3A_17 = tpu.memref_slice %arg3[%add3A_15] : memref<320000xi32, #tpu.memory_space<hbm>> -> memref<80xi32, #tpu.memory_space<hbm>>
    tpu.enqueue_dma source(%dma_start3A_17 : memref<80xi32, #tpu.memory_space<hbm>>) target(%arg8 : memref<80xi32, #tpu.memory_space<vmem>>) target_semaphore(%arg19 : memref<!tpu.dma_semaphore, #tpu.memory_space<semaphore_mem>>)
    %add3A_18 = arith.constant 80 : i32
    %add3A_19 = arith.addi %mul3A_2, %add3A_18 : i32
    %dma_start3A_20 = tpu.memref_slice %arg4[%add3A_19] : memref<320000xi32, #tpu.memory_space<hbm>> -> memref<80xi32, #tpu.memory_space<hbm>>
    %dma_start3A_21 = tpu.memref_slice %arg4[%add3A_19] : memref<320000xi32, #tpu.memory_space<hbm>> -> memref<80xi32, #tpu.memory_space<hbm>>
    tpu.enqueue_dma source(%dma_start3A_21 : memref<80xi32, #tpu.memory_space<hbm>>) target(%arg12 : memref<80xi32, #tpu.memory_space<vmem>>) target_semaphore(%arg23 : memref<!tpu.dma_semaphore, #tpu.memory_space<semaphore_mem>>)
    %add3A_22 = arith.constant 160 : i32
    %add3A_23 = arith.addi %mul3A_2, %add3A_22 : i32
    %dma_start3A_24 = tpu.memref_slice %arg3[%add3A_23] : memref<320000xi32, #tpu.memory_space<hbm>> -> memref<80xi32, #tpu.memory_space<hbm>>
    %dma_start3A_25 = tpu.memref_slice %arg3[%add3A_23] : memref<320000xi32, #tpu.memory_space<hbm>> -> memref<80xi32, #tpu.memory_space<hbm>>
    tpu.enqueue_dma source(%dma_start3A_25 : memref<80xi32, #tpu.memory_space<hbm>>) target(%arg9 : memref<80xi32, #tpu.memory_space<vmem>>) target_semaphore(%arg20 : memref<!tpu.dma_semaphore, #tpu.memory_space<semaphore_mem>>)
    %add3A_26 = arith.constant 160 : i32
    %add3A_27 = arith.addi %mul3A_2, %add3A_26 : i32
    %dma_start3A_28 = tpu.memref_slice %arg4[%add3A_27] : memref<320000xi32, #tpu.memory_space<hbm>> -> memref<80xi32, #tpu.memory_space<hbm>>
    %dma_start3A_29 = tpu.memref_slice %arg4[%add3A_27] : memref<320000xi32, #tpu.memory_space<hbm>> -> memref<80xi32, #tpu.memory_space<hbm>>
    tpu.enqueue_dma source(%dma_start3A_29 : memref<80xi32, #tpu.memory_space<hbm>>) target(%arg13 : memref<80xi32, #tpu.memory_space<vmem>>) target_semaphore(%arg24 : memref<!tpu.dma_semaphore, #tpu.memory_space<semaphore_mem>>)
    %add3A_30 = arith.constant 240 : i32
    %add3A_31 = arith.addi %mul3A_2, %add3A_30 : i32
    %dma_start3A_32 = tpu.memref_slice %arg3[%add3A_31] : memref<320000xi32, #tpu.memory_space<hbm>> -> memref<80xi32, #tpu.memory_space<hbm>>
    %dma_start3A_33 = tpu.memref_slice %arg3[%add3A_31] : memref<320000xi32, #tpu.memory_space<hbm>> -> memref<80xi32, #tpu.memory_space<hbm>>
    tpu.enqueue_dma source(%dma_start3A_33 : memref<80xi32, #tpu.memory_space<hbm>>) target(%arg10 : memref<80xi32, #tpu.memory_space<vmem>>) target_semaphore(%arg21 : memref<!tpu.dma_semaphore, #tpu.memory_space<semaphore_mem>>)
    %add3A_34 = arith.constant 240 : i32
    %add3A_35 = arith.addi %mul3A_2, %add3A_34 : i32
    %dma_start3A_36 = tpu.memref_slice %arg4[%add3A_35] : memref<320000xi32, #tpu.memory_space<hbm>> -> memref<80xi32, #tpu.memory_space<hbm>>
    %dma_start3A_37 = tpu.memref_slice %arg4[%add3A_35] : memref<320000xi32, #tpu.memory_space<hbm>> -> memref<80xi32, #tpu.memory_space<hbm>>
    tpu.enqueue_dma source(%dma_start3A_37 : memref<80xi32, #tpu.memory_space<hbm>>) target(%arg14 : memref<80xi32, #tpu.memory_space<vmem>>) target_semaphore(%arg25 : memref<!tpu.dma_semaphore, #tpu.memory_space<semaphore_mem>>)
    %dma_wait3A = arith.constant 0 : i32
    %dma_wait3A_38 = tpu.memref_slice %arg3[%dma_wait3A] : memref<320000xi32, #tpu.memory_space<hbm>> -> memref<80xi32, #tpu.memory_space<hbm>>
    %dma_wait3A_39 = arith.constant 0 : i32
    %dma_wait3A_40 = tpu.memref_slice %arg3[%dma_wait3A_39] : memref<320000xi32, #tpu.memory_space<hbm>> -> memref<80xi32, #tpu.memory_space<hbm>>
    tpu.wait_dma2 semaphore(%arg18 : memref<!tpu.dma_semaphore, #tpu.memory_space<semaphore_mem>>) src(%dma_wait3A_40 : memref<80xi32, #tpu.memory_space<hbm>>) dst(%arg7 : memref<80xi32, #tpu.memory_space<vmem>>)
    %dma_start3A_41 = arith.constant 0 : i32
    %dma_start3A_42 = arith.constant 0 : i32
    %dma_start3A_43 = tpu.memref_slice %arg2[%dma_start3A_41, %dma_start3A_42] : memref<10000x128xf32, #tpu.memory_space<hbm>> -> memref<10000x128xf32, #tpu.memory_space<hbm>>
    tpu.enqueue_indirect_dma source(%dma_start3A_43 : memref<10000x128xf32, #tpu.memory_space<hbm>>) target(%arg15 : memref<80x128xf32, #tpu.memory_space<vmem>>) offsets(%arg7 : memref<80xi32, #tpu.memory_space<vmem>>) semaphore(%arg26 : memref<!tpu.dma_semaphore, #tpu.memory_space<semaphore_mem>>)
    %dma_wait3A_44 = arith.constant 0 : i32
    %dma_wait3A_45 = tpu.memref_slice %arg3[%dma_wait3A_44] : memref<320000xi32, #tpu.memory_space<hbm>> -> memref<80xi32, #tpu.memory_space<hbm>>
    %dma_wait3A_46 = arith.constant 0 : i32
    %dma_wait3A_47 = tpu.memref_slice %arg3[%dma_wait3A_46] : memref<320000xi32, #tpu.memory_space<hbm>> -> memref<80xi32, #tpu.memory_space<hbm>>
    tpu.wait_dma2 semaphore(%arg19 : memref<!tpu.dma_semaphore, #tpu.memory_space<semaphore_mem>>) src(%dma_wait3A_47 : memref<80xi32, #tpu.memory_space<hbm>>) dst(%arg8 : memref<80xi32, #tpu.memory_space<vmem>>)
    %dma_start3A_48 = arith.constant 0 : i32
    %dma_start3A_49 = arith.constant 0 : i32
    %dma_start3A_50 = tpu.memref_slice %arg2[%dma_start3A_48, %dma_start3A_49] : memref<10000x128xf32, #tpu.memory_space<hbm>> -> memref<10000x128xf32, #tpu.memory_space<hbm>>
    tpu.enqueue_indirect_dma source(%dma_start3A_50 : memref<10000x128xf32, #tpu.memory_space<hbm>>) target(%arg16 : memref<80x128xf32, #tpu.memory_space<vmem>>) offsets(%arg8 : memref<80xi32, #tpu.memory_space<vmem>>) semaphore(%arg27 : memref<!tpu.dma_semaphore, #tpu.memory_space<semaphore_mem>>)
    %scan3A = arith.constant 0 : i32
    %scan3A_51 = arith.constant 0 : i32
    %scan3A_52 = arith.constant 31 : i32
    %scan3A_53 = arith.addi %scan3A_51, %scan3A_52 : i32
    %scan3A_54 = arith.constant 1 : i32
    scf.for %scan3A_68 = %scan3A_51 to %scan3A_53 step %scan3A_54  : i32 {
      %mul3A_69 = arith.constant 4 : i32
      %mul3A_70 = arith.muli %scan3A_68, %mul3A_69 : i32
      %add3A_71 = arith.constant 0 : i32
      %add3A_72 = arith.addi %mul3A_70, %add3A_71 : i32
      %dma_wait3A_73 = arith.constant 0 : i32
      %dma_wait3A_74 = arith.constant 0 : i32
      %dma_wait3A_75 = tpu.memref_slice %arg2[%dma_wait3A_73, %dma_wait3A_74] : memref<10000x128xf32, #tpu.memory_space<hbm>> -> memref<10000x128xf32, #tpu.memory_space<hbm>>
      tpu.wait_indirect_dma semaphore(%arg26 : memref<!tpu.dma_semaphore, #tpu.memory_space<semaphore_mem>>) src(%dma_wait3A_75 : memref<10000x128xf32, #tpu.memory_space<hbm>>) dst(%arg15 : memref<80x128xf32, #tpu.memory_space<vmem>>)
      %dma_wait3A_76 = arith.constant 0 : i32
      %dma_wait3A_77 = tpu.memref_slice %arg4[%dma_wait3A_76] : memref<320000xi32, #tpu.memory_space<hbm>> -> memref<80xi32, #tpu.memory_space<hbm>>
      %dma_wait3A_78 = arith.constant 0 : i32
      %dma_wait3A_79 = tpu.memref_slice %arg4[%dma_wait3A_78] : memref<320000xi32, #tpu.memory_space<hbm>> -> memref<80xi32, #tpu.memory_space<hbm>>
      tpu.wait_dma2 semaphore(%arg22 : memref<!tpu.dma_semaphore, #tpu.memory_space<semaphore_mem>>) src(%dma_wait3A_79 : memref<80xi32, #tpu.memory_space<hbm>>) dst(%arg11 : memref<80xi32, #tpu.memory_space<vmem>>)
      "tpu.region"() ({
        %run_scoped3A = tpu.sem_alloc : memref<!tpu.dma_semaphore, #tpu.memory_space<semaphore_mem>>
        %dma_start3A_166 = arith.constant 0 : i32
        %dma_start3A_167 = arith.constant 0 : i32
        %dma_start3A_168 = tpu.memref_slice %arg17[%dma_start3A_166, %dma_start3A_167] : memref<10240x128xf32, #tpu.memory_space<vmem_shared>> -> memref<10240x128xf32, #tpu.memory_space<vmem_shared>>
        tpu.enqueue_indirect_dma source(%arg15 : memref<80x128xf32, #tpu.memory_space<vmem>>) target(%dma_start3A_168 : memref<10240x128xf32, #tpu.memory_space<vmem_shared>>) offsets(%arg11 : memref<80xi32, #tpu.memory_space<vmem>>) semaphore(%run_scoped3A : memref<!tpu.dma_semaphore, #tpu.memory_space<semaphore_mem>>) {add = true}
        %dma_wait3A_169 = arith.constant 0 : i32
        %dma_wait3A_170 = arith.constant 0 : i32
        %dma_wait3A_171 = tpu.memref_slice %arg17[%dma_wait3A_169, %dma_wait3A_170] : memref<10240x128xf32, #tpu.memory_space<vmem_shared>> -> memref<10240x128xf32, #tpu.memory_space<vmem_shared>>
        tpu.wait_indirect_dma semaphore(%run_scoped3A : memref<!tpu.dma_semaphore, #tpu.memory_space<semaphore_mem>>) src(%arg15 : memref<80x128xf32, #tpu.memory_space<vmem>>) dst(%dma_wait3A_171 : memref<10240x128xf32, #tpu.memory_space<vmem_shared>>)
        tpu.yield
      }) : () -> ()
      %add3A_80 = arith.constant 4 : i32
      %add3A_81 = arith.addi %add3A_72, %add3A_80 : i32
      %lt3A = arith.constant 125 : i32
      %lt3A_82 = arith.cmpi slt, %add3A_81, %lt3A : i32
      %convert_element_type3A = arith.extui %lt3A_82 : i1 to i32
      %cond3A = arith.constant 0 : i32
      %cond3A_83 = arith.cmpi ne, %convert_element_type3A, %cond3A : i32
      scf.if %cond3A_83 {
        %mul3A_166 = arith.constant 80 : i32
        %mul3A_167 = arith.muli %add3A_81, %mul3A_166 : i32
        %add3A_168 = arith.addi %mul3A_2, %mul3A_167 : i32
        %dma_start3A_169 = tpu.memref_slice %arg3[%add3A_168] : memref<320000xi32, #tpu.memory_space<hbm>> -> memref<80xi32, #tpu.memory_space<hbm>>
        %dma_start3A_170 = tpu.memref_slice %arg3[%add3A_168] : memref<320000xi32, #tpu.memory_space<hbm>> -> memref<80xi32, #tpu.memory_space<hbm>>
        tpu.enqueue_dma source(%dma_start3A_170 : memref<80xi32, #tpu.memory_space<hbm>>) target(%arg7 : memref<80xi32, #tpu.memory_space<vmem>>) target_semaphore(%arg18 : memref<!tpu.dma_semaphore, #tpu.memory_space<semaphore_mem>>)
        %mul3A_171 = arith.constant 80 : i32
        %mul3A_172 = arith.muli %add3A_81, %mul3A_171 : i32
        %add3A_173 = arith.addi %mul3A_2, %mul3A_172 : i32
        %dma_start3A_174 = tpu.memref_slice %arg4[%add3A_173] : memref<320000xi32, #tpu.memory_space<hbm>> -> memref<80xi32, #tpu.memory_space<hbm>>
        %dma_start3A_175 = tpu.memref_slice %arg4[%add3A_173] : memref<320000xi32, #tpu.memory_space<hbm>> -> memref<80xi32, #tpu.memory_space<hbm>>
        tpu.enqueue_dma source(%dma_start3A_175 : memref<80xi32, #tpu.memory_space<hbm>>) target(%arg11 : memref<80xi32, #tpu.memory_space<vmem>>) target_semaphore(%arg22 : memref<!tpu.dma_semaphore, #tpu.memory_space<semaphore_mem>>)
      } else {
      }
      %add3A_84 = arith.constant 2 : i32
      %add3A_85 = arith.addi %add3A_72, %add3A_84 : i32
      %lt3A_86 = arith.constant 125 : i32
      %lt3A_87 = arith.cmpi slt, %add3A_85, %lt3A_86 : i32
      %convert_element_type3A_88 = arith.extui %lt3A_87 : i1 to i32
      %cond3A_89 = arith.constant 0 : i32
      %cond3A_90 = arith.cmpi ne, %convert_element_type3A_88, %cond3A_89 : i32
      scf.if %cond3A_90 {
        %dma_wait3A_166 = arith.constant 0 : i32
        %dma_wait3A_167 = tpu.memref_slice %arg3[%dma_wait3A_166] : memref<320000xi32, #tpu.memory_space<hbm>> -> memref<80xi32, #tpu.memory_space<hbm>>
        %dma_wait3A_168 = arith.constant 0 : i32
        %dma_wait3A_169 = tpu.memref_slice %arg3[%dma_wait3A_168] : memref<320000xi32, #tpu.memory_space<hbm>> -> memref<80xi32, #tpu.memory_space<hbm>>
        tpu.wait_dma2 semaphore(%arg20 : memref<!tpu.dma_semaphore, #tpu.memory_space<semaphore_mem>>) src(%dma_wait3A_169 : memref<80xi32, #tpu.memory_space<hbm>>) dst(%arg9 : memref<80xi32, #tpu.memory_space<vmem>>)
        %dma_start3A_170 = arith.constant 0 : i32
        %dma_start3A_171 = arith.constant 0 : i32
        %dma_start3A_172 = tpu.memref_slice %arg2[%dma_start3A_170, %dma_start3A_171] : memref<10000x128xf32, #tpu.memory_space<hbm>> -> memref<10000x128xf32, #tpu.memory_space<hbm>>
        tpu.enqueue_indirect_dma source(%dma_start3A_172 : memref<10000x128xf32, #tpu.memory_space<hbm>>) target(%arg15 : memref<80x128xf32, #tpu.memory_space<vmem>>) offsets(%arg9 : memref<80xi32, #tpu.memory_space<vmem>>) semaphore(%arg26 : memref<!tpu.dma_semaphore, #tpu.memory_space<semaphore_mem>>)
      } else {
      }
      %mul3A_91 = arith.constant 4 : i32
      %mul3A_92 = arith.muli %scan3A_68, %mul3A_91 : i32
      %add3A_93 = arith.constant 1 : i32
      %add3A_94 = arith.addi %mul3A_92, %add3A_93 : i32
      %dma_wait3A_95 = arith.constant 0 : i32
      %dma_wait3A_96 = arith.constant 0 : i32
      %dma_wait3A_97 = tpu.memref_slice %arg2[%dma_wait3A_95, %dma_wait3A_96] : memref<10000x128xf32, #tpu.memory_space<hbm>> -> memref<10000x128xf32, #tpu.memory_space<hbm>>
      tpu.wait_indirect_dma semaphore(%arg27 : memref<!tpu.dma_semaphore, #tpu.memory_space<semaphore_mem>>) src(%dma_wait3A_97 : memref<10000x128xf32, #tpu.memory_space<hbm>>) dst(%arg16 : memref<80x128xf32, #tpu.memory_space<vmem>>)
      %dma_wait3A_98 = arith.constant 0 : i32
      %dma_wait3A_99 = tpu.memref_slice %arg4[%dma_wait3A_98] : memref<320000xi32, #tpu.memory_space<hbm>> -> memref<80xi32, #tpu.memory_space<hbm>>
      %dma_wait3A_100 = arith.constant 0 : i32
      %dma_wait3A_101 = tpu.memref_slice %arg4[%dma_wait3A_100] : memref<320000xi32, #tpu.memory_space<hbm>> -> memref<80xi32, #tpu.memory_space<hbm>>
      tpu.wait_dma2 semaphore(%arg23 : memref<!tpu.dma_semaphore, #tpu.memory_space<semaphore_mem>>) src(%dma_wait3A_101 : memref<80xi32, #tpu.memory_space<hbm>>) dst(%arg12 : memref<80xi32, #tpu.memory_space<vmem>>)
      "tpu.region"() ({
        %run_scoped3A = tpu.sem_alloc : memref<!tpu.dma_semaphore, #tpu.memory_space<semaphore_mem>>
        %dma_start3A_166 = arith.constant 0 : i32
        %dma_start3A_167 = arith.constant 0 : i32
        %dma_start3A_168 = tpu.memref_slice %arg17[%dma_start3A_166, %dma_start3A_167] : memref<10240x128xf32, #tpu.memory_space<vmem_shared>> -> memref<10240x128xf32, #tpu.memory_space<vmem_shared>>
        tpu.enqueue_indirect_dma source(%arg16 : memref<80x128xf32, #tpu.memory_space<vmem>>) target(%dma_start3A_168 : memref<10240x128xf32, #tpu.memory_space<vmem_shared>>) offsets(%arg12 : memref<80xi32, #tpu.memory_space<vmem>>) semaphore(%run_scoped3A : memref<!tpu.dma_semaphore, #tpu.memory_space<semaphore_mem>>) {add = true}
        %dma_wait3A_169 = arith.constant 0 : i32
        %dma_wait3A_170 = arith.constant 0 : i32
        %dma_wait3A_171 = tpu.memref_slice %arg17[%dma_wait3A_169, %dma_wait3A_170] : memref<10240x128xf32, #tpu.memory_space<vmem_shared>> -> memref<10240x128xf32, #tpu.memory_space<vmem_shared>>
        tpu.wait_indirect_dma semaphore(%run_scoped3A : memref<!tpu.dma_semaphore, #tpu.memory_space<semaphore_mem>>) src(%arg16 : memref<80x128xf32, #tpu.memory_space<vmem>>) dst(%dma_wait3A_171 : memref<10240x128xf32, #tpu.memory_space<vmem_shared>>)
        tpu.yield
      }) : () -> ()
      %add3A_102 = arith.constant 4 : i32
      %add3A_103 = arith.addi %add3A_94, %add3A_102 : i32
      %lt3A_104 = arith.constant 125 : i32
      %lt3A_105 = arith.cmpi slt, %add3A_103, %lt3A_104 : i32
      %convert_element_type3A_106 = arith.extui %lt3A_105 : i1 to i32
      %cond3A_107 = arith.constant 0 : i32
      %cond3A_108 = arith.cmpi ne, %convert_element_type3A_106, %cond3A_107 : i32
      scf.if %cond3A_108 {
        %mul3A_166 = arith.constant 80 : i32
        %mul3A_167 = arith.muli %add3A_103, %mul3A_166 : i32
        %add3A_168 = arith.addi %mul3A_2, %mul3A_167 : i32
        %dma_start3A_169 = tpu.memref_slice %arg3[%add3A_168] : memref<320000xi32, #tpu.memory_space<hbm>> -> memref<80xi32, #tpu.memory_space<hbm>>
        %dma_start3A_170 = tpu.memref_slice %arg3[%add3A_168] : memref<320000xi32, #tpu.memory_space<hbm>> -> memref<80xi32, #tpu.memory_space<hbm>>
        tpu.enqueue_dma source(%dma_start3A_170 : memref<80xi32, #tpu.memory_space<hbm>>) target(%arg8 : memref<80xi32, #tpu.memory_space<vmem>>) target_semaphore(%arg19 : memref<!tpu.dma_semaphore, #tpu.memory_space<semaphore_mem>>)
        %mul3A_171 = arith.constant 80 : i32
        %mul3A_172 = arith.muli %add3A_103, %mul3A_171 : i32
        %add3A_173 = arith.addi %mul3A_2, %mul3A_172 : i32
        %dma_start3A_174 = tpu.memref_slice %arg4[%add3A_173] : memref<320000xi32, #tpu.memory_space<hbm>> -> memref<80xi32, #tpu.memory_space<hbm>>
        %dma_start3A_175 = tpu.memref_slice %arg4[%add3A_173] : memref<320000xi32, #tpu.memory_space<hbm>> -> memref<80xi32, #tpu.memory_space<hbm>>
        tpu.enqueue_dma source(%dma_start3A_175 : memref<80xi32, #tpu.memory_space<hbm>>) target(%arg12 : memref<80xi32, #tpu.memory_space<vmem>>) target_semaphore(%arg23 : memref<!tpu.dma_semaphore, #tpu.memory_space<semaphore_mem>>)
      } else {
      }
      %add3A_109 = arith.constant 2 : i32
      %add3A_110 = arith.addi %add3A_94, %add3A_109 : i32
      %lt3A_111 = arith.constant 125 : i32
      %lt3A_112 = arith.cmpi slt, %add3A_110, %lt3A_111 : i32
      %convert_element_type3A_113 = arith.extui %lt3A_112 : i1 to i32
      %cond3A_114 = arith.constant 0 : i32
      %cond3A_115 = arith.cmpi ne, %convert_element_type3A_113, %cond3A_114 : i32
      scf.if %cond3A_115 {
        %dma_wait3A_166 = arith.constant 0 : i32
        %dma_wait3A_167 = tpu.memref_slice %arg3[%dma_wait3A_166] : memref<320000xi32, #tpu.memory_space<hbm>> -> memref<80xi32, #tpu.memory_space<hbm>>
        %dma_wait3A_168 = arith.constant 0 : i32
        %dma_wait3A_169 = tpu.memref_slice %arg3[%dma_wait3A_168] : memref<320000xi32, #tpu.memory_space<hbm>> -> memref<80xi32, #tpu.memory_space<hbm>>
        tpu.wait_dma2 semaphore(%arg21 : memref<!tpu.dma_semaphore, #tpu.memory_space<semaphore_mem>>) src(%dma_wait3A_169 : memref<80xi32, #tpu.memory_space<hbm>>) dst(%arg10 : memref<80xi32, #tpu.memory_space<vmem>>)
        %dma_start3A_170 = arith.constant 0 : i32
        %dma_start3A_171 = arith.constant 0 : i32
        %dma_start3A_172 = tpu.memref_slice %arg2[%dma_start3A_170, %dma_start3A_171] : memref<10000x128xf32, #tpu.memory_space<hbm>> -> memref<10000x128xf32, #tpu.memory_space<hbm>>
        tpu.enqueue_indirect_dma source(%dma_start3A_172 : memref<10000x128xf32, #tpu.memory_space<hbm>>) target(%arg16 : memref<80x128xf32, #tpu.memory_space<vmem>>) offsets(%arg10 : memref<80xi32, #tpu.memory_space<vmem>>) semaphore(%arg27 : memref<!tpu.dma_semaphore, #tpu.memory_space<semaphore_mem>>)
      } else {
      }
      %mul3A_116 = arith.constant 4 : i32
      %mul3A_117 = arith.muli %scan3A_68, %mul3A_116 : i32
      %add3A_118 = arith.constant 2 : i32
      %add3A_119 = arith.addi %mul3A_117, %add3A_118 : i32
      %dma_wait3A_120 = arith.constant 0 : i32
      %dma_wait3A_121 = arith.constant 0 : i32
      %dma_wait3A_122 = tpu.memref_slice %arg2[%dma_wait3A_120, %dma_wait3A_121] : memref<10000x128xf32, #tpu.memory_space<hbm>> -> memref<10000x128xf32, #tpu.memory_space<hbm>>
      tpu.wait_indirect_dma semaphore(%arg26 : memref<!tpu.dma_semaphore, #tpu.memory_space<semaphore_mem>>) src(%dma_wait3A_122 : memref<10000x128xf32, #tpu.memory_space<hbm>>) dst(%arg15 : memref<80x128xf32, #tpu.memory_space<vmem>>)
      %dma_wait3A_123 = arith.constant 0 : i32
      %dma_wait3A_124 = tpu.memref_slice %arg4[%dma_wait3A_123] : memref<320000xi32, #tpu.memory_space<hbm>> -> memref<80xi32, #tpu.memory_space<hbm>>
      %dma_wait3A_125 = arith.constant 0 : i32
      %dma_wait3A_126 = tpu.memref_slice %arg4[%dma_wait3A_125] : memref<320000xi32, #tpu.memory_space<hbm>> -> memref<80xi32, #tpu.memory_space<hbm>>
      tpu.wait_dma2 semaphore(%arg24 : memref<!tpu.dma_semaphore, #tpu.memory_space<semaphore_mem>>) src(%dma_wait3A_126 : memref<80xi32, #tpu.memory_space<hbm>>) dst(%arg13 : memref<80xi32, #tpu.memory_space<vmem>>)
      "tpu.region"() ({
        %run_scoped3A = tpu.sem_alloc : memref<!tpu.dma_semaphore, #tpu.memory_space<semaphore_mem>>
        %dma_start3A_166 = arith.constant 0 : i32
        %dma_start3A_167 = arith.constant 0 : i32
        %dma_start3A_168 = tpu.memref_slice %arg17[%dma_start3A_166, %dma_start3A_167] : memref<10240x128xf32, #tpu.memory_space<vmem_shared>> -> memref<10240x128xf32, #tpu.memory_space<vmem_shared>>
        tpu.enqueue_indirect_dma source(%arg15 : memref<80x128xf32, #tpu.memory_space<vmem>>) target(%dma_start3A_168 : memref<10240x128xf32, #tpu.memory_space<vmem_shared>>) offsets(%arg13 : memref<80xi32, #tpu.memory_space<vmem>>) semaphore(%run_scoped3A : memref<!tpu.dma_semaphore, #tpu.memory_space<semaphore_mem>>) {add = true}
        %dma_wait3A_169 = arith.constant 0 : i32
        %dma_wait3A_170 = arith.constant 0 : i32
        %dma_wait3A_171 = tpu.memref_slice %arg17[%dma_wait3A_169, %dma_wait3A_170] : memref<10240x128xf32, #tpu.memory_space<vmem_shared>> -> memref<10240x128xf32, #tpu.memory_space<vmem_shared>>
        tpu.wait_indirect_dma semaphore(%run_scoped3A : memref<!tpu.dma_semaphore, #tpu.memory_space<semaphore_mem>>) src(%arg15 : memref<80x128xf32, #tpu.memory_space<vmem>>) dst(%dma_wait3A_171 : memref<10240x128xf32, #tpu.memory_space<vmem_shared>>)
        tpu.yield
      }) : () -> ()
      %add3A_127 = arith.constant 4 : i32
      %add3A_128 = arith.addi %add3A_119, %add3A_127 : i32
      %lt3A_129 = arith.constant 125 : i32
      %lt3A_130 = arith.cmpi slt, %add3A_128, %lt3A_129 : i32
      %convert_element_type3A_131 = arith.extui %lt3A_130 : i1 to i32
      %cond3A_132 = arith.constant 0 : i32
      %cond3A_133 = arith.cmpi ne, %convert_element_type3A_131, %cond3A_132 : i32
      scf.if %cond3A_133 {
        %mul3A_166 = arith.constant 80 : i32
        %mul3A_167 = arith.muli %add3A_128, %mul3A_166 : i32
        %add3A_168 = arith.addi %mul3A_2, %mul3A_167 : i32
        %dma_start3A_169 = tpu.memref_slice %arg3[%add3A_168] : memref<320000xi32, #tpu.memory_space<hbm>> -> memref<80xi32, #tpu.memory_space<hbm>>
        %dma_start3A_170 = tpu.memref_slice %arg3[%add3A_168] : memref<320000xi32, #tpu.memory_space<hbm>> -> memref<80xi32, #tpu.memory_space<hbm>>
        tpu.enqueue_dma source(%dma_start3A_170 : memref<80xi32, #tpu.memory_space<hbm>>) target(%arg9 : memref<80xi32, #tpu.memory_space<vmem>>) target_semaphore(%arg20 : memref<!tpu.dma_semaphore, #tpu.memory_space<semaphore_mem>>)
        %mul3A_171 = arith.constant 80 : i32
        %mul3A_172 = arith.muli %add3A_128, %mul3A_171 : i32
        %add3A_173 = arith.addi %mul3A_2, %mul3A_172 : i32
        %dma_start3A_174 = tpu.memref_slice %arg4[%add3A_173] : memref<320000xi32, #tpu.memory_space<hbm>> -> memref<80xi32, #tpu.memory_space<hbm>>
        %dma_start3A_175 = tpu.memref_slice %arg4[%add3A_173] : memref<320000xi32, #tpu.memory_space<hbm>> -> memref<80xi32, #tpu.memory_space<hbm>>
        tpu.enqueue_dma source(%dma_start3A_175 : memref<80xi32, #tpu.memory_space<hbm>>) target(%arg13 : memref<80xi32, #tpu.memory_space<vmem>>) target_semaphore(%arg24 : memref<!tpu.dma_semaphore, #tpu.memory_space<semaphore_mem>>)
      } else {
      }
      %add3A_134 = arith.constant 2 : i32
      %add3A_135 = arith.addi %add3A_119, %add3A_134 : i32
      %lt3A_136 = arith.constant 125 : i32
      %lt3A_137 = arith.cmpi slt, %add3A_135, %lt3A_136 : i32
      %convert_element_type3A_138 = arith.extui %lt3A_137 : i1 to i32
      %cond3A_139 = arith.constant 0 : i32
      %cond3A_140 = arith.cmpi ne, %convert_element_type3A_138, %cond3A_139 : i32
      scf.if %cond3A_140 {
        %dma_wait3A_166 = arith.constant 0 : i32
        %dma_wait3A_167 = tpu.memref_slice %arg3[%dma_wait3A_166] : memref<320000xi32, #tpu.memory_space<hbm>> -> memref<80xi32, #tpu.memory_space<hbm>>
        %dma_wait3A_168 = arith.constant 0 : i32
        %dma_wait3A_169 = tpu.memref_slice %arg3[%dma_wait3A_168] : memref<320000xi32, #tpu.memory_space<hbm>> -> memref<80xi32, #tpu.memory_space<hbm>>
        tpu.wait_dma2 semaphore(%arg18 : memref<!tpu.dma_semaphore, #tpu.memory_space<semaphore_mem>>) src(%dma_wait3A_169 : memref<80xi32, #tpu.memory_space<hbm>>) dst(%arg7 : memref<80xi32, #tpu.memory_space<vmem>>)
        %dma_start3A_170 = arith.constant 0 : i32
        %dma_start3A_171 = arith.constant 0 : i32
        %dma_start3A_172 = tpu.memref_slice %arg2[%dma_start3A_170, %dma_start3A_171] : memref<10000x128xf32, #tpu.memory_space<hbm>> -> memref<10000x128xf32, #tpu.memory_space<hbm>>
        tpu.enqueue_indirect_dma source(%dma_start3A_172 : memref<10000x128xf32, #tpu.memory_space<hbm>>) target(%arg15 : memref<80x128xf32, #tpu.memory_space<vmem>>) offsets(%arg7 : memref<80xi32, #tpu.memory_space<vmem>>) semaphore(%arg26 : memref<!tpu.dma_semaphore, #tpu.memory_space<semaphore_mem>>)
      } else {
      }
      %mul3A_141 = arith.constant 4 : i32
      %mul3A_142 = arith.muli %scan3A_68, %mul3A_141 : i32
      %add3A_143 = arith.constant 3 : i32
      %add3A_144 = arith.addi %mul3A_142, %add3A_143 : i32
      %dma_wait3A_145 = arith.constant 0 : i32
      %dma_wait3A_146 = arith.constant 0 : i32
      %dma_wait3A_147 = tpu.memref_slice %arg2[%dma_wait3A_145, %dma_wait3A_146] : memref<10000x128xf32, #tpu.memory_space<hbm>> -> memref<10000x128xf32, #tpu.memory_space<hbm>>
      tpu.wait_indirect_dma semaphore(%arg27 : memref<!tpu.dma_semaphore, #tpu.memory_space<semaphore_mem>>) src(%dma_wait3A_147 : memref<10000x128xf32, #tpu.memory_space<hbm>>) dst(%arg16 : memref<80x128xf32, #tpu.memory_space<vmem>>)
      %dma_wait3A_148 = arith.constant 0 : i32
      %dma_wait3A_149 = tpu.memref_slice %arg4[%dma_wait3A_148] : memref<320000xi32, #tpu.memory_space<hbm>> -> memref<80xi32, #tpu.memory_space<hbm>>
      %dma_wait3A_150 = arith.constant 0 : i32
      %dma_wait3A_151 = tpu.memref_slice %arg4[%dma_wait3A_150] : memref<320000xi32, #tpu.memory_space<hbm>> -> memref<80xi32, #tpu.memory_space<hbm>>
      tpu.wait_dma2 semaphore(%arg25 : memref<!tpu.dma_semaphore, #tpu.memory_space<semaphore_mem>>) src(%dma_wait3A_151 : memref<80xi32, #tpu.memory_space<hbm>>) dst(%arg14 : memref<80xi32, #tpu.memory_space<vmem>>)
      "tpu.region"() ({
        %run_scoped3A = tpu.sem_alloc : memref<!tpu.dma_semaphore, #tpu.memory_space<semaphore_mem>>
        %dma_start3A_166 = arith.constant 0 : i32
        %dma_start3A_167 = arith.constant 0 : i32
        %dma_start3A_168 = tpu.memref_slice %arg17[%dma_start3A_166, %dma_start3A_167] : memref<10240x128xf32, #tpu.memory_space<vmem_shared>> -> memref<10240x128xf32, #tpu.memory_space<vmem_shared>>
        tpu.enqueue_indirect_dma source(%arg16 : memref<80x128xf32, #tpu.memory_space<vmem>>) target(%dma_start3A_168 : memref<10240x128xf32, #tpu.memory_space<vmem_shared>>) offsets(%arg14 : memref<80xi32, #tpu.memory_space<vmem>>) semaphore(%run_scoped3A : memref<!tpu.dma_semaphore, #tpu.memory_space<semaphore_mem>>) {add = true}
        %dma_wait3A_169 = arith.constant 0 : i32
        %dma_wait3A_170 = arith.constant 0 : i32
        %dma_wait3A_171 = tpu.memref_slice %arg17[%dma_wait3A_169, %dma_wait3A_170] : memref<10240x128xf32, #tpu.memory_space<vmem_shared>> -> memref<10240x128xf32, #tpu.memory_space<vmem_shared>>
        tpu.wait_indirect_dma semaphore(%run_scoped3A : memref<!tpu.dma_semaphore, #tpu.memory_space<semaphore_mem>>) src(%arg16 : memref<80x128xf32, #tpu.memory_space<vmem>>) dst(%dma_wait3A_171 : memref<10240x128xf32, #tpu.memory_space<vmem_shared>>)
        tpu.yield
      }) : () -> ()
      %add3A_152 = arith.constant 4 : i32
      %add3A_153 = arith.addi %add3A_144, %add3A_152 : i32
      %lt3A_154 = arith.constant 125 : i32
      %lt3A_155 = arith.cmpi slt, %add3A_153, %lt3A_154 : i32
      %convert_element_type3A_156 = arith.extui %lt3A_155 : i1 to i32
      %cond3A_157 = arith.constant 0 : i32
      %cond3A_158 = arith.cmpi ne, %convert_element_type3A_156, %cond3A_157 : i32
      scf.if %cond3A_158 {
        %mul3A_166 = arith.constant 80 : i32
        %mul3A_167 = arith.muli %add3A_153, %mul3A_166 : i32
        %add3A_168 = arith.addi %mul3A_2, %mul3A_167 : i32
        %dma_start3A_169 = tpu.memref_slice %arg3[%add3A_168] : memref<320000xi32, #tpu.memory_space<hbm>> -> memref<80xi32, #tpu.memory_space<hbm>>
        %dma_start3A_170 = tpu.memref_slice %arg3[%add3A_168] : memref<320000xi32, #tpu.memory_space<hbm>> -> memref<80xi32, #tpu.memory_space<hbm>>
        tpu.enqueue_dma source(%dma_start3A_170 : memref<80xi32, #tpu.memory_space<hbm>>) target(%arg10 : memref<80xi32, #tpu.memory_space<vmem>>) target_semaphore(%arg21 : memref<!tpu.dma_semaphore, #tpu.memory_space<semaphore_mem>>)
        %mul3A_171 = arith.constant 80 : i32
        %mul3A_172 = arith.muli %add3A_153, %mul3A_171 : i32
        %add3A_173 = arith.addi %mul3A_2, %mul3A_172 : i32
        %dma_start3A_174 = tpu.memref_slice %arg4[%add3A_173] : memref<320000xi32, #tpu.memory_space<hbm>> -> memref<80xi32, #tpu.memory_space<hbm>>
        %dma_start3A_175 = tpu.memref_slice %arg4[%add3A_173] : memref<320000xi32, #tpu.memory_space<hbm>> -> memref<80xi32, #tpu.memory_space<hbm>>
        tpu.enqueue_dma source(%dma_start3A_175 : memref<80xi32, #tpu.memory_space<hbm>>) target(%arg14 : memref<80xi32, #tpu.memory_space<vmem>>) target_semaphore(%arg25 : memref<!tpu.dma_semaphore, #tpu.memory_space<semaphore_mem>>)
      } else {
      }
      %add3A_159 = arith.constant 2 : i32
      %add3A_160 = arith.addi %add3A_144, %add3A_159 : i32
      %lt3A_161 = arith.constant 125 : i32
      %lt3A_162 = arith.cmpi slt, %add3A_160, %lt3A_161 : i32
      %convert_element_type3A_163 = arith.extui %lt3A_162 : i1 to i32
      %cond3A_164 = arith.constant 0 : i32
      %cond3A_165 = arith.cmpi ne, %convert_element_type3A_163, %cond3A_164 : i32
      scf.if %cond3A_165 {
        %dma_wait3A_166 = arith.constant 0 : i32
        %dma_wait3A_167 = tpu.memref_slice %arg3[%dma_wait3A_166] : memref<320000xi32, #tpu.memory_space<hbm>> -> memref<80xi32, #tpu.memory_space<hbm>>
        %dma_wait3A_168 = arith.constant 0 : i32
        %dma_wait3A_169 = tpu.memref_slice %arg3[%dma_wait3A_168] : memref<320000xi32, #tpu.memory_space<hbm>> -> memref<80xi32, #tpu.memory_space<hbm>>
        tpu.wait_dma2 semaphore(%arg19 : memref<!tpu.dma_semaphore, #tpu.memory_space<semaphore_mem>>) src(%dma_wait3A_169 : memref<80xi32, #tpu.memory_space<hbm>>) dst(%arg8 : memref<80xi32, #tpu.memory_space<vmem>>)
        %dma_start3A_170 = arith.constant 0 : i32
        %dma_start3A_171 = arith.constant 0 : i32
        %dma_start3A_172 = tpu.memref_slice %arg2[%dma_start3A_170, %dma_start3A_171] : memref<10000x128xf32, #tpu.memory_space<hbm>> -> memref<10000x128xf32, #tpu.memory_space<hbm>>
        tpu.enqueue_indirect_dma source(%dma_start3A_172 : memref<10000x128xf32, #tpu.memory_space<hbm>>) target(%arg16 : memref<80x128xf32, #tpu.memory_space<vmem>>) offsets(%arg8 : memref<80xi32, #tpu.memory_space<vmem>>) semaphore(%arg27 : memref<!tpu.dma_semaphore, #tpu.memory_space<semaphore_mem>>)
      } else {
      }
    }
    %scan3A_55 = arith.constant 31 : i32
    %dma_wait3A_56 = arith.constant 0 : i32
    %dma_wait3A_57 = arith.constant 0 : i32
    %dma_wait3A_58 = tpu.memref_slice %arg2[%dma_wait3A_56, %dma_wait3A_57] : memref<10000x128xf32, #tpu.memory_space<hbm>> -> memref<10000x128xf32, #tpu.memory_space<hbm>>
    tpu.wait_indirect_dma semaphore(%arg26 : memref<!tpu.dma_semaphore, #tpu.memory_space<semaphore_mem>>) src(%dma_wait3A_58 : memref<10000x128xf32, #tpu.memory_space<hbm>>) dst(%arg15 : memref<80x128xf32, #tpu.memory_space<vmem>>)
    %dma_wait3A_59 = arith.constant 0 : i32
    %dma_wait3A_60 = tpu.memref_slice %arg4[%dma_wait3A_59] : memref<320000xi32, #tpu.memory_space<hbm>> -> memref<80xi32, #tpu.memory_space<hbm>>
    %dma_wait3A_61 = arith.constant 0 : i32
    %dma_wait3A_62 = tpu.memref_slice %arg4[%dma_wait3A_61] : memref<320000xi32, #tpu.memory_space<hbm>> -> memref<80xi32, #tpu.memory_space<hbm>>
    tpu.wait_dma2 semaphore(%arg22 : memref<!tpu.dma_semaphore, #tpu.memory_space<semaphore_mem>>) src(%dma_wait3A_62 : memref<80xi32, #tpu.memory_space<hbm>>) dst(%arg11 : memref<80xi32, #tpu.memory_space<vmem>>)
    "tpu.region"() ({
      %run_scoped3A = tpu.sem_alloc : memref<!tpu.dma_semaphore, #tpu.memory_space<semaphore_mem>>
      %dma_start3A_68 = arith.constant 0 : i32
      %dma_start3A_69 = arith.constant 0 : i32
      %dma_start3A_70 = tpu.memref_slice %arg17[%dma_start3A_68, %dma_start3A_69] : memref<10240x128xf32, #tpu.memory_space<vmem_shared>> -> memref<10240x128xf32, #tpu.memory_space<vmem_shared>>
      tpu.enqueue_indirect_dma source(%arg15 : memref<80x128xf32, #tpu.memory_space<vmem>>) target(%dma_start3A_70 : memref<10240x128xf32, #tpu.memory_space<vmem_shared>>) offsets(%arg11 : memref<80xi32, #tpu.memory_space<vmem>>) semaphore(%run_scoped3A : memref<!tpu.dma_semaphore, #tpu.memory_space<semaphore_mem>>) {add = true}
      %dma_wait3A_71 = arith.constant 0 : i32
      %dma_wait3A_72 = arith.constant 0 : i32
      %dma_wait3A_73 = tpu.memref_slice %arg17[%dma_wait3A_71, %dma_wait3A_72] : memref<10240x128xf32, #tpu.memory_space<vmem_shared>> -> memref<10240x128xf32, #tpu.memory_space<vmem_shared>>
      tpu.wait_indirect_dma semaphore(%run_scoped3A : memref<!tpu.dma_semaphore, #tpu.memory_space<semaphore_mem>>) src(%arg15 : memref<80x128xf32, #tpu.memory_space<vmem>>) dst(%dma_wait3A_73 : memref<10240x128xf32, #tpu.memory_space<vmem_shared>>)
      tpu.yield
    }) : () -> ()
    %barrier3A_63 = arith.constant 0 : index
    tpu.barrier barrier_id(%barrier3A_63)
    %mul3A_64 = arith.constant 640 : i32
    %mul3A_65 = arith.muli %arg1, %mul3A_64 : i32
    %mul3A_66 = arith.constant 640 : i32
    %mul3A_67 = arith.muli %arg1, %mul3A_66 : i32
    "tpu.region"() ({
      %run_scoped3A = tpu.sem_alloc : memref<!tpu.dma_semaphore, #tpu.memory_space<semaphore_mem>>
      %dma_start3A_68 = arith.constant 0 : i32
      %dma_start3A_69 = tpu.memref_slice %arg6[%arg0, %mul3A_67, %dma_start3A_68] : memref<2x10240x128xf32, #tpu.memory_space<hbm>> -> memref<1x640x128xf32, #tpu.memory_space<hbm>>
      %dma_start3A_70 = tpu.memref_squeeze %dma_start3A_69 : memref<1x640x128xf32, #tpu.memory_space<hbm>> -> memref<640x128xf32, #tpu.memory_space<hbm>>
      %dma_start3A_71 = arith.constant 0 : i32
      %dma_start3A_72 = tpu.memref_slice %arg17[%mul3A_65, %dma_start3A_71] : memref<10240x128xf32, #tpu.memory_space<vmem_shared>> -> memref<640x128xf32, #tpu.memory_space<vmem_shared>>
      tpu.enqueue_dma source(%dma_start3A_72 : memref<640x128xf32, #tpu.memory_space<vmem_shared>>) target(%dma_start3A_70 : memref<640x128xf32, #tpu.memory_space<hbm>>) target_semaphore(%run_scoped3A : memref<!tpu.dma_semaphore, #tpu.memory_space<semaphore_mem>>)
      %dma_wait3A_73 = arith.constant 0 : i32
      %dma_wait3A_74 = tpu.memref_slice %arg6[%arg0, %mul3A_67, %dma_wait3A_73] : memref<2x10240x128xf32, #tpu.memory_space<hbm>> -> memref<1x640x128xf32, #tpu.memory_space<hbm>>
      %dma_wait3A_75 = tpu.memref_squeeze %dma_wait3A_74 : memref<1x640x128xf32, #tpu.memory_space<hbm>> -> memref<640x128xf32, #tpu.memory_space<hbm>>
      %dma_wait3A_76 = arith.constant 0 : i32
      %dma_wait3A_77 = tpu.memref_slice %arg17[%mul3A_65, %dma_wait3A_76] : memref<10240x128xf32, #tpu.memory_space<vmem_shared>> -> memref<640x128xf32, #tpu.memory_space<vmem_shared>>
      tpu.wait_dma2 semaphore(%run_scoped3A : memref<!tpu.dma_semaphore, #tpu.memory_space<semaphore_mem>>) src(%dma_wait3A_77 : memref<640x128xf32, #tpu.memory_space<vmem_shared>>) dst(%dma_wait3A_75 : memref<640x128xf32, #tpu.memory_space<hbm>>)
      tpu.yield
    }) : () -> ()
    return
  }
}

module attributes {stable_mosaic.version = 14 : i64} {
  func.func @body(%arg0: i32, %arg1: memref<1000x128xf32, #tpu.memory_space<vmem>>, %arg2: memref<128x128xf32, #tpu.memory_space<vmem>>, %arg3: memref<1x128xf32, #tpu.memory_space<vmem>>, %arg4: memref<1000x128xf32, #tpu.memory_space<vmem>>) attributes {dimension_semantics = [#tpu.dimension_semantics<arbitrary>], iteration_bounds = array<i64: 10>, scalar_prefetch = 0 : i64, scratch_operands = 0 : i64, tpu.core_type = #tpu.core_type<tc>, window_params = [{transform_indices = @transform_0, window_bounds = array<i64: 1000, 128>}, {pipeline_mode = #tpu.pipeline_mode<synchronous>, transform_indices = @transform_1, window_bounds = array<i64: 128, 128>}, {pipeline_mode = #tpu.pipeline_mode<synchronous>, transform_indices = @transform_2, window_bounds = array<i64: 1, 128>}, {transform_indices = @transform_3, window_bounds = array<i64: 1000, 128>}]} {
    %get3A = arith.constant 0 : index
    %get3A_0 = arith.constant 0 : index
    %get3A_1 = vector.load %arg1[%get3A, %get3A_0] : memref<1000x128xf32, #tpu.memory_space<vmem>>, vector<1000x128xf32>
    %get3A_2 = arith.constant 0 : index
    %get3A_3 = arith.constant 0 : index
    %get3A_4 = vector.load %arg2[%get3A_2, %get3A_3] : memref<128x128xf32, #tpu.memory_space<vmem>>, vector<128x128xf32>
    %dot_general3A = arith.constant dense<0.000000e+00> : vector<1000x128xf32>
    %dot_general3A_5 = tpu.matmul %get3A_1, %get3A_4, %dot_general3A {dimension_numbers = #tpu.dot_dimension_numbers<[1], [1], [0], [0], [0, 0, 1, 0], [], []>, transpose_lhs_hint = false} : vector<1000x128xf32>, vector<128x128xf32>, vector<1000x128xf32> -> vector<1000x128xf32>
    %get3A_6 = arith.constant 0 : index
    %get3A_7 = arith.constant 0 : index
    %get3A_8 = vector.load %arg3[%get3A_6, %get3A_7] : memref<1x128xf32, #tpu.memory_space<vmem>>, vector<1x128xf32>
    %add3A = vector.broadcast %get3A_8 : vector<1x128xf32> to vector<1000x128xf32>
    %add3A_9 = arith.addf %dot_general3A_5, %add3A : vector<1000x128xf32>
    %swap3A = arith.constant 0 : index
    %swap3A_10 = arith.constant 0 : index
    %swap3A_11 = vector.load %arg4[%swap3A, %swap3A_10] : memref<1000x128xf32, #tpu.memory_space<vmem>>, vector<1000x128xf32>
    tpu.vector_store %arg4[%swap3A, %swap3A_10], %add3A_9 {strides = array<i32>} : memref<1000x128xf32, #tpu.memory_space<vmem>>, vector<1000x128xf32>,
    return
  }
  func.func @transform_0(%arg0: i32) -> (i32, i32) {
    %c0_i32 = arith.constant 0 : i32
    %c0_i32_0 = arith.constant 0 : i32
    return %arg0, %c0_i32 : i32, i32
  }
  func.func @transform_1(%arg0: i32) -> (i32, i32) {
    %c0_i32 = arith.constant 0 : i32
    %c0_i32_0 = arith.constant 0 : i32
    %c0_i32_1 = arith.constant 0 : i32
    return %c0_i32, %c0_i32_0 : i32, i32
  }
  func.func @transform_2(%arg0: i32) -> (i32, i32) {
    %c0_i32 = arith.constant 0 : i32
    %c0_i32_0 = arith.constant 0 : i32
    %c0_i32_1 = arith.constant 0 : i32
    return %c0_i32, %c0_i32_0 : i32, i32
  }
  func.func @transform_3(%arg0: i32) -> (i32, i32) {
    %c0_i32 = arith.constant 0 : i32
    %c0_i32_0 = arith.constant 0 : i32
    return %arg0, %c0_i32 : i32, i32
  }
}

module attributes {stable_mosaic.version = 14 : i64} {
  func.func @body(%arg0: i32, %arg1: memref<2x1000x128xf32, #tpu.memory_space<vmem>>, %arg2: memref<1000x1xf32, #tpu.memory_space<vmem>>, %arg3: memref<128x128xf32, #tpu.memory_space<vmem>>, %arg4: memref<1x128xf32, #tpu.memory_space<vmem>>, %arg5: memref<1000x128xf32, #tpu.memory_space<vmem>>) attributes {dimension_semantics = [#tpu.dimension_semantics<arbitrary>], iteration_bounds = array<i64: 10>, scalar_prefetch = 0 : i64, scratch_operands = 0 : i64, tpu.core_type = #tpu.core_type<tc>, window_params = [{transform_indices = @transform_0, window_bounds = array<i64: 2, 1000, 128>}, {transform_indices = @transform_1, window_bounds = array<i64: 1000, 1>}, {pipeline_mode = #tpu.pipeline_mode<synchronous>, transform_indices = @transform_2, window_bounds = array<i64: 128, 128>}, {pipeline_mode = #tpu.pipeline_mode<synchronous>, transform_indices = @transform_3, window_bounds = array<i64: 1, 128>}, {transform_indices = @transform_4, window_bounds = array<i64: 1000, 128>}]} {
    %get3A = arith.constant 0 : index
    %get3A_0 = arith.constant 0 : index
    %get3A_1 = arith.constant 0 : index
    %get3A_2 = vector.load %arg1[%get3A, %get3A_0, %get3A_1] : memref<2x1000x128xf32, #tpu.memory_space<vmem>>, vector<1x1000x128xf32>
    %get3A_3 = vector.shape_cast %get3A_2 : vector<1x1000x128xf32> to vector<1000x128xf32>
    %get3A_4 = arith.constant 1 : index
    %get3A_5 = arith.constant 0 : index
    %get3A_6 = arith.constant 0 : index
    %get3A_7 = vector.load %arg1[%get3A_4, %get3A_5, %get3A_6] : memref<2x1000x128xf32, #tpu.memory_space<vmem>>, vector<1x1000x128xf32>
    %get3A_8 = vector.shape_cast %get3A_7 : vector<1x1000x128xf32> to vector<1000x128xf32>
    %add3A = arith.addf %get3A_3, %get3A_8 : vector<1000x128xf32>
    %get3A_9 = arith.constant 0 : index
    %get3A_10 = arith.constant 0 : index
    %get3A_11 = vector.load %arg2[%get3A_9, %get3A_10] : memref<1000x1xf32, #tpu.memory_space<vmem>>, vector<1000x1xf32>
    %max3A = arith.constant 1.000000e+00 : f32
    %max3A_12 = vector.broadcast %max3A : f32 to vector<1000x1xf32>
    %max3A_13 = arith.maximumf %get3A_11, %max3A_12 : vector<1000x1xf32>
    %div3A = vector.broadcast %max3A_13 : vector<1000x1xf32> to vector<1000x128xf32>
    %div3A_14 = arith.divf %add3A, %div3A : vector<1000x128xf32>
    %get3A_15 = arith.constant 0 : index
    %get3A_16 = arith.constant 0 : index
    %get3A_17 = vector.load %arg3[%get3A_15, %get3A_16] : memref<128x128xf32, #tpu.memory_space<vmem>>, vector<128x128xf32>
    %dot_general3A = arith.constant dense<0.000000e+00> : vector<1000x128xf32>
    %dot_general3A_18 = tpu.matmul %div3A_14, %get3A_17, %dot_general3A {dimension_numbers = #tpu.dot_dimension_numbers<[1], [1], [0], [0], [0, 0, 1, 0], [], []>, transpose_lhs_hint = false} : vector<1000x128xf32>, vector<128x128xf32>, vector<1000x128xf32> -> vector<1000x128xf32>
    %get3A_19 = arith.constant 0 : index
    %get3A_20 = arith.constant 0 : index
    %get3A_21 = vector.load %arg4[%get3A_19, %get3A_20] : memref<1x128xf32, #tpu.memory_space<vmem>>, vector<1x128xf32>
    %add3A_22 = vector.broadcast %get3A_21 : vector<1x128xf32> to vector<1000x128xf32>
    %add3A_23 = arith.addf %dot_general3A_18, %add3A_22 : vector<1000x128xf32>
    %gt3A = arith.constant 0.000000e+00 : f32
    %gt3A_24 = vector.broadcast %gt3A : f32 to vector<1000x1xf32>
    %gt3A_25 = arith.cmpf ogt, %get3A_11, %gt3A_24 : vector<1000x1xf32>
    %jit3A = arith.constant 0.000000e+00 : f32
    %broadcast_in_dim3A = vector.shape_cast %gt3A_25 : vector<1000x1xi1> to vector<1000x1xi1>
    %broadcast_in_dim3A_26 = vector.broadcast %broadcast_in_dim3A : vector<1000x1xi1> to vector<1000x128xi1>
    %broadcast_in_dim3A_27 = vector.broadcast %jit3A : f32 to vector<1000x128xf32>
    %select_n3A = arith.select %broadcast_in_dim3A_26, %add3A_23, %broadcast_in_dim3A_27 : vector<1000x128xi1>, vector<1000x128xf32>
    %ge3A = arith.constant 0.000000e+00 : f32
    %ge3A_28 = vector.broadcast %ge3A : f32 to vector<1000x128xf32>
    %ge3A_29 = arith.cmpf oge, %select_n3A, %ge3A_28 : vector<1000x128xf32>
    %mul3A = arith.constant 0.00999999977 : f32
    %mul3A_30 = vector.broadcast %mul3A : f32 to vector<1000x128xf32>
    %mul3A_31 = arith.mulf %mul3A_30, %select_n3A : vector<1000x128xf32>
    %select_n3A_32 = arith.select %ge3A_29, %select_n3A, %mul3A_31 : vector<1000x128xi1>, vector<1000x128xf32>
    %swap3A = arith.constant 0 : index
    %swap3A_33 = arith.constant 0 : index
    %swap3A_34 = vector.load %arg5[%swap3A, %swap3A_33] : memref<1000x128xf32, #tpu.memory_space<vmem>>, vector<1000x128xf32>
    tpu.vector_store %arg5[%swap3A, %swap3A_33], %select_n3A_32 {strides = array<i32>} : memref<1000x128xf32, #tpu.memory_space<vmem>>, vector<1000x128xf32>,
    return
  }
  func.func @transform_0(%arg0: i32) -> (i32, i32, i32) {
    %c0_i32 = arith.constant 0 : i32
    %c0_i32_0 = arith.constant 0 : i32
    %c0_i32_1 = arith.constant 0 : i32
    return %c0_i32, %arg0, %c0_i32_0 : i32, i32, i32
  }
  func.func @transform_1(%arg0: i32) -> (i32, i32) {
    %c0_i32 = arith.constant 0 : i32
    %c0_i32_0 = arith.constant 0 : i32
    return %arg0, %c0_i32 : i32, i32
  }
  func.func @transform_2(%arg0: i32) -> (i32, i32) {
    %c0_i32 = arith.constant 0 : i32
    %c0_i32_0 = arith.constant 0 : i32
    %c0_i32_1 = arith.constant 0 : i32
    return %c0_i32, %c0_i32_0 : i32, i32
  }
  func.func @transform_3(%arg0: i32) -> (i32, i32) {
    %c0_i32 = arith.constant 0 : i32
    %c0_i32_0 = arith.constant 0 : i32
    %c0_i32_1 = arith.constant 0 : i32
    return %c0_i32, %c0_i32_0 : i32, i32
  }
  func.func @transform_4(%arg0: i32) -> (i32, i32) {
    %c0_i32 = arith.constant 0 : i32
    %c0_i32_0 = arith.constant 0 : i32
    return %arg0, %c0_i32 : i32, i32
  }
}

module attributes {stable_mosaic.version = 14 : i64} {
  func.func @body(%arg0: i32, %arg1: memref<2x1000x128xf32, #tpu.memory_space<vmem>>, %arg2: memref<1000x1xf32, #tpu.memory_space<vmem>>, %arg3: memref<128x128xf32, #tpu.memory_space<vmem>>, %arg4: memref<1x128xf32, #tpu.memory_space<vmem>>, %arg5: memref<64x128xf32, #tpu.memory_space<vmem>>, %arg6: memref<1x64xf32, #tpu.memory_space<vmem>>, %arg7: memref<1000x64xf32, #tpu.memory_space<vmem>>) attributes {dimension_semantics = [#tpu.dimension_semantics<arbitrary>], iteration_bounds = array<i64: 10>, scalar_prefetch = 0 : i64, scratch_operands = 0 : i64, tpu.core_type = #tpu.core_type<tc>, window_params = [{transform_indices = @transform_0, window_bounds = array<i64: 2, 1000, 128>}, {transform_indices = @transform_1, window_bounds = array<i64: 1000, 1>}, {pipeline_mode = #tpu.pipeline_mode<synchronous>, transform_indices = @transform_2, window_bounds = array<i64: 128, 128>}, {pipeline_mode = #tpu.pipeline_mode<synchronous>, transform_indices = @transform_3, window_bounds = array<i64: 1, 128>}, {pipeline_mode = #tpu.pipeline_mode<synchronous>, transform_indices = @transform_4, window_bounds = array<i64: 64, 128>}, {pipeline_mode = #tpu.pipeline_mode<synchronous>, transform_indices = @transform_5, window_bounds = array<i64: 1, 64>}, {transform_indices = @transform_6, window_bounds = array<i64: 1000, 64>}]} {
    %get3A = arith.constant 0 : index
    %get3A_0 = arith.constant 0 : index
    %get3A_1 = arith.constant 0 : index
    %get3A_2 = vector.load %arg1[%get3A, %get3A_0, %get3A_1] : memref<2x1000x128xf32, #tpu.memory_space<vmem>>, vector<1x1000x128xf32>
    %get3A_3 = vector.shape_cast %get3A_2 : vector<1x1000x128xf32> to vector<1000x128xf32>
    %get3A_4 = arith.constant 1 : index
    %get3A_5 = arith.constant 0 : index
    %get3A_6 = arith.constant 0 : index
    %get3A_7 = vector.load %arg1[%get3A_4, %get3A_5, %get3A_6] : memref<2x1000x128xf32, #tpu.memory_space<vmem>>, vector<1x1000x128xf32>
    %get3A_8 = vector.shape_cast %get3A_7 : vector<1x1000x128xf32> to vector<1000x128xf32>
    %add3A = arith.addf %get3A_3, %get3A_8 : vector<1000x128xf32>
    %get3A_9 = arith.constant 0 : index
    %get3A_10 = arith.constant 0 : index
    %get3A_11 = vector.load %arg2[%get3A_9, %get3A_10] : memref<1000x1xf32, #tpu.memory_space<vmem>>, vector<1000x1xf32>
    %max3A = arith.constant 1.000000e+00 : f32
    %max3A_12 = vector.broadcast %max3A : f32 to vector<1000x1xf32>
    %max3A_13 = arith.maximumf %get3A_11, %max3A_12 : vector<1000x1xf32>
    %div3A = vector.broadcast %max3A_13 : vector<1000x1xf32> to vector<1000x128xf32>
    %div3A_14 = arith.divf %add3A, %div3A : vector<1000x128xf32>
    %get3A_15 = arith.constant 0 : index
    %get3A_16 = arith.constant 0 : index
    %get3A_17 = vector.load %arg3[%get3A_15, %get3A_16] : memref<128x128xf32, #tpu.memory_space<vmem>>, vector<128x128xf32>
    %dot_general3A = arith.constant dense<0.000000e+00> : vector<1000x128xf32>
    %dot_general3A_18 = tpu.matmul %div3A_14, %get3A_17, %dot_general3A {dimension_numbers = #tpu.dot_dimension_numbers<[1], [1], [0], [0], [0, 0, 1, 0], [], []>, transpose_lhs_hint = false} : vector<1000x128xf32>, vector<128x128xf32>, vector<1000x128xf32> -> vector<1000x128xf32>
    %get3A_19 = arith.constant 0 : index
    %get3A_20 = arith.constant 0 : index
    %get3A_21 = vector.load %arg4[%get3A_19, %get3A_20] : memref<1x128xf32, #tpu.memory_space<vmem>>, vector<1x128xf32>
    %add3A_22 = vector.broadcast %get3A_21 : vector<1x128xf32> to vector<1000x128xf32>
    %add3A_23 = arith.addf %dot_general3A_18, %add3A_22 : vector<1000x128xf32>
    %gt3A = arith.constant 0.000000e+00 : f32
    %gt3A_24 = vector.broadcast %gt3A : f32 to vector<1000x1xf32>
    %gt3A_25 = arith.cmpf ogt, %get3A_11, %gt3A_24 : vector<1000x1xf32>
    %jit3A = arith.constant 0.000000e+00 : f32
    %broadcast_in_dim3A = vector.shape_cast %gt3A_25 : vector<1000x1xi1> to vector<1000x1xi1>
    %broadcast_in_dim3A_26 = vector.broadcast %broadcast_in_dim3A : vector<1000x1xi1> to vector<1000x128xi1>
    %broadcast_in_dim3A_27 = vector.broadcast %jit3A : f32 to vector<1000x128xf32>
    %select_n3A = arith.select %broadcast_in_dim3A_26, %add3A_23, %broadcast_in_dim3A_27 : vector<1000x128xi1>, vector<1000x128xf32>
    %get3A_28 = arith.constant 0 : index
    %get3A_29 = arith.constant 0 : index
    %get3A_30 = vector.load %arg5[%get3A_28, %get3A_29] : memref<64x128xf32, #tpu.memory_space<vmem>>, vector<64x128xf32>
    %dot_general3A_31 = arith.constant dense<0.000000e+00> : vector<1000x64xf32>
    %dot_general3A_32 = tpu.matmul %select_n3A, %get3A_30, %dot_general3A_31 {dimension_numbers = #tpu.dot_dimension_numbers<[1], [1], [0], [0], [0, 0, 1, 0], [], []>, transpose_lhs_hint = false} : vector<1000x128xf32>, vector<64x128xf32>, vector<1000x64xf32> -> vector<1000x64xf32>
    %get3A_33 = arith.constant 0 : index
    %get3A_34 = arith.constant 0 : index
    %get3A_35 = vector.load %arg6[%get3A_33, %get3A_34] : memref<1x64xf32, #tpu.memory_space<vmem>>, vector<1x64xf32>
    %add3A_36 = vector.broadcast %get3A_35 : vector<1x64xf32> to vector<1000x64xf32>
    %add3A_37 = arith.addf %dot_general3A_32, %add3A_36 : vector<1000x64xf32>
    %swap3A = arith.constant 0 : index
    %swap3A_38 = arith.constant 0 : index
    %swap3A_39 = vector.load %arg7[%swap3A, %swap3A_38] : memref<1000x64xf32, #tpu.memory_space<vmem>>, vector<1000x64xf32>
    tpu.vector_store %arg7[%swap3A, %swap3A_38], %add3A_37 {strides = array<i32>} : memref<1000x64xf32, #tpu.memory_space<vmem>>, vector<1000x64xf32>,
    return
  }
  func.func @transform_0(%arg0: i32) -> (i32, i32, i32) {
    %c0_i32 = arith.constant 0 : i32
    %c0_i32_0 = arith.constant 0 : i32
    %c0_i32_1 = arith.constant 0 : i32
    return %c0_i32, %arg0, %c0_i32_0 : i32, i32, i32
  }
  func.func @transform_1(%arg0: i32) -> (i32, i32) {
    %c0_i32 = arith.constant 0 : i32
    %c0_i32_0 = arith.constant 0 : i32
    return %arg0, %c0_i32 : i32, i32
  }
  func.func @transform_2(%arg0: i32) -> (i32, i32) {
    %c0_i32 = arith.constant 0 : i32
    %c0_i32_0 = arith.constant 0 : i32
    %c0_i32_1 = arith.constant 0 : i32
    return %c0_i32, %c0_i32_0 : i32, i32
  }
  func.func @transform_3(%arg0: i32) -> (i32, i32) {
    %c0_i32 = arith.constant 0 : i32
    %c0_i32_0 = arith.constant 0 : i32
    %c0_i32_1 = arith.constant 0 : i32
    return %c0_i32, %c0_i32_0 : i32, i32
  }
  func.func @transform_4(%arg0: i32) -> (i32, i32) {
    %c0_i32 = arith.constant 0 : i32
    %c0_i32_0 = arith.constant 0 : i32
    %c0_i32_1 = arith.constant 0 : i32
    return %c0_i32, %c0_i32_0 : i32, i32
  }
  func.func @transform_5(%arg0: i32) -> (i32, i32) {
    %c0_i32 = arith.constant 0 : i32
    %c0_i32_0 = arith.constant 0 : i32
    %c0_i32_1 = arith.constant 0 : i32
    return %c0_i32, %c0_i32_0 : i32, i32
  }
  func.func @transform_6(%arg0: i32) -> (i32, i32) {
    %c0_i32 = arith.constant 0 : i32
    %c0_i32_0 = arith.constant 0 : i32
    return %arg0, %c0_i32 : i32, i32
  }
}

</mosaic_0001>

<sc_bundles>
// kernel: kernel.11.cloned.1.call-start
scs
__scs_entry_jumppad:
0x0: {  	(pc) =	sbr.rel $0x88, $3  }
0x1: {  	(tag) =	ssettag $0x0;
	lr =	simm.s32 $0x1  }
0x2: {  	[smem:$0x3F96] =	sst lr;
	_ =	strace $0xD0000000  }
0x3: {  	_ = 	snop  }
0x4: {  	_ = 	snop  }
0x5: {  	_ = 	snop  }
0x6: {  	_ = 	snop  }
0x7: {  	_ = 	snop  }
__scs_overlays_trampoline_lowered:
0x8: {  	[smem:$0x3FA5] =	sst s0  }
0x9: {  	[smem:$0x3FA6] =	sst s1  }
0xa: {  	[smem:$0x3FA7] =	sst s2  }
0xb: {  	[smem:$0x3FA8] =	sst s3  }
0xc: {  	[smem:$0x3FA9] =	sst s4  }
0xd: {  	[smem:$0x3FAA] =	sst s5  }
0xe: {  	[smem:$0x3FAB] =	sst s6  }
0xf: {  	[smem:$0x3FAC] =	sst s7  }
0x10: {  	[smem:$0x3FAD] =	sst s8  }
0x11: {  	[smem:$0x3FAE] =	sst s9;
	s0 =	simm.s32 @!p0 $0x0  }
0x12: {  	s1 =	sld [smem:$0x3F94];
	s0 =	simm.s32 @p0 $0x1  }
0x13: {  	[smem:$0x3FAF] =	sst s0;
	s0 =	simm.s32 @!p1 $0x0  }
0x14: {  	s2 =	sld [smem:$0x3F93];
	s0 =	simm.s32 @p1 $0x1  }
0x15: {  	[smem:$0x3FB0] =	sst s0;
	s0 =	simm.s32 @!p2 $0x0  }
0x16: {  	s3 =	sld [smem:$0x3FDB];
	s0 =	simm.s32 @p2 $0x1  }
0x17: {  	s4 =	simm.s32 $0x1BF5;
	[smem:$0x3FB2] =	sst s0  }
0x18: {  	s0 =	sld [smem:$0x3F95];
	_ =	swait.ge [sflag:s4], $0x0  }
0x19: {  	s7 =	sld [smem:$0x3F96]  }
0x1a: {  	s8 =	sadd.s32 $0xFFFFE003, lr  }
0x1b: {  	s9 =	sadd.s32 $0xFFFFFEF7, lr;
	s5 =	simm.s32 $0xFFFFFFFF;
	p2 =	slt.u32 s8, $0xFFFFF086  }
0x1c: {  	p1 =	slt.u32 s9, $0xF7A;
	s5 =	simm.s32 @!p2 $0x0  }
0x1d: {  	s5 =	simm.s32 @p1 $0x1;
	p0 =	seq.s32 s7, s2  }
0x1e: {  	s7 =	smul.u32 @!p0 $0xF7A, s2;
	p2 =	seq.s32 @!p0 s5, $0x0  }
0x1f: {  	s9 =	smul.u32 $0xF7A, s1;
	s8 =	simm.s32 @!p0 $0x1BF5;
	p2 =	por !p2, p0  }
0x20: {  	[sflag:s8] =	ssyncset.s32 @!p0 $0xFFFFF086;
	s6 =	sadd.s32 @!p0 s3, s7;
	s7 =	simm.s32 @!p0 $0x108  }
0x21: {  	s3 =	sadd.s32 s3, s9;
	s6 =	sadd.s32 @!p0 $0x88, s6;
	s7 =	simm.s32 @p2 $0x1082  }
0x22: {  	[simem:s7], [sflag:s8] =	dma.local @!p0 [hbm:s6], $0xF7A  }
0x23: {  	s9 =	sor.u32 $0xD0000000, s2;
	s6 =	simm.s32 $0x108;
	_ =	swait.ge @!p0 [sflag:s8], $0x0  }
0x24: {  	s3 =	sadd.s32 $0x88, s3;
	s6 =	simm.s32 @!p1 $0x1082;
	[sflag:s4] =	ssyncset.s32 $0xFFFFF086  }
0x25: {  	[simem:s6], [sflag:s4] =	dma.local [hbm:s3], $0xF7A  }
0x26: {  	[smem:$0x3F96] =	sst s1;
	(tag) =	ssettag s2;
	_ =	strace s9  }
0x27: {  	s1 =	sld [smem:$0x3FA6]  }
0x28: {  	s2 =	sld [smem:$0x3FA7]  }
0x29: {  	s4 =	sld [smem:$0x3FA9]  }
0x2a: {  	p0 =	seq.s32 s5, $0x0;
	s5 =	sld [smem:$0x3FAA]  }
0x2b: {  	s6 =	sld [smem:$0x3FAB]  }
0x2c: {  	s7 =	sld [smem:$0x3FAC]  }
0x2d: {  	s3 =	simm.s32 $0x108;
	s8 =	sld [smem:$0x3FAD]  }
0x2e: {  	s3 =	simm.s32 @!p0 $0x1082;
	s9 =	sld [smem:$0x3FAE]  }
0x2f: {  	lr =	sadd.s32 s0, s3;
	s0 =	sld [smem:$0x3FA5]  }
0x30: {  	s3 =	sld [smem:$0x3FA8]  }
0x31: {  	[smem:$0x3FB1] =	sst s10  }
0x32: {  	s10 =	sld [smem:$0x3FAF];
	_ =	sdelay $0x3  }
0x33: {  	p0 =	seq.s32 s10, $0x1;
	s10 =	sld [smem:$0x3FB1];
	_ =	sdelay $0x3  }
0x34: {  	[smem:$0x3FB1] =	sst s10  }
0x35: {  	s10 =	sld [smem:$0x3FB0];
	_ =	sdelay $0x3  }
0x36: {  	p1 =	seq.s32 s10, $0x1;
	s10 =	sld [smem:$0x3FB1];
	_ =	sdelay $0x3  }
0x37: {  	[smem:$0x3FB1] =	sst s10  }
0x38: {  	s10 =	sld [smem:$0x3FB2]  }
0x39: {  	_ = 	snop;
	(pc) =	sbr.ind lr, $3  }
0x3a: {  	_ = 	snop  }
0x3b: {  	_ = 	snop  }
0x3c: {  	p2 =	seq.s32 s10, $0x1;
	s10 =	sld [smem:$0x3FB1]  }
0x3d: {  	_ =	shalt  }
0x3e: {  	_ =	shalt  }
0x3f: {  	_ =	shalt  }
0x40: {  	_ =	shalt  }
0x41: {  	_ =	shalt  }
0x42: {  	_ =	shalt  }
0x43: {  	_ =	shalt  }
0x44: {  	_ =	shalt  }
0x45: {  	_ =	shalt  }
0x46: {  	_ =	shalt  }
0x47: {  	_ =	shalt  }
0x48: {  	_ =	shalt  }
0x49: {  	_ =	shalt  }
0x4a: {  	_ =	shalt  }
0x4b: {  	_ =	shalt  }
0x4c: {  	_ =	shalt  }
0x4d: {  	_ =	shalt  }
0x4e: {  	_ =	shalt  }
0x4f: {  	_ =	shalt  }
0x50: {  	_ =	shalt  }
0x51: {  	_ =	shalt  }
0x52: {  	_ =	shalt  }
0x53: {  	_ =	shalt  }
0x54: {  	_ =	shalt  }
0x55: {  	_ =	shalt  }
0x56: {  	_ =	shalt  }
0x57: {  	_ =	shalt  }
0x58: {  	_ =	shalt  }
0x59: {  	_ =	shalt  }
0x5a: {  	_ =	shalt  }
0x5b: {  	_ =	shalt  }
0x5c: {  	_ =	shalt  }
0x5d: {  	_ =	shalt  }
0x5e: {  	_ =	shalt  }
0x5f: {  	_ =	shalt  }
0x60: {  	_ =	shalt  }
0x61: {  	_ =	shalt  }
0x62: {  	_ =	shalt  }
0x63: {  	_ =	shalt  }
0x64: {  	_ =	shalt  }
0x65: {  	_ =	shalt  }
0x66: {  	_ =	shalt  }
0x67: {  	_ =	shalt  }
0x68: {  	_ =	shalt  }
0x69: {  	_ =	shalt  }
0x6a: {  	_ =	shalt  }
0x6b: {  	_ =	shalt  }
0x6c: {  	_ =	shalt  }
0x6d: {  	_ =	shalt  }
0x6e: {  	_ =	shalt  }
0x6f: {  	_ =	shalt  }
0x70: {  	_ =	shalt  }
0x71: {  	_ =	shalt  }
0x72: {  	_ =	shalt  }
0x73: {  	_ =	shalt  }
0x74: {  	_ =	shalt  }
0x75: {  	_ =	shalt  }
0x76: {  	_ =	shalt  }
0x77: {  	_ =	shalt  }
0x78: {  	_ =	shalt  }
0x79: {  	_ =	shalt  }
0x7a: {  	_ =	shalt  }
0x7b: {  	_ =	shalt  }
0x7c: {  	_ =	shalt  }
0x7d: {  	_ =	shalt  }
0x7e: {  	_ =	shalt  }
0x7f: {  	_ =	shalt  }
0x80: {  	_ =	shalt  }
0x81: {  	_ =	shalt  }
0x82: {  	_ =	shalt  }
0x83: {  	_ =	shalt  }
0x84: {  	_ =	shalt  }
0x85: {  	_ =	shalt  }
0x86: {  	_ =	shalt  }
0x87: {  	_ =	shalt  }
.Lfunc_end0:
.L_simem_size_0:
called_computation.1_lowered:
.L_overlay_start_0:
0x88: {  	s2 =	sld [smem:$0x3FD9]  }
0x89: {  	s3 =	sld [smem:$0x3FFE];
	_ =	sdelay $0x1  }
0x8a: {  	s1 =	srdreg.scid  }
0x8b: {  	s0 =	sand.u32 $0x1, s1  }
0x8c: {  	s17 =	sshll.u32 s0, $0xA;
	s2 =	sadd.s32 s3, s2  }
0x8d: {  	s2 =	sadd.s32 s2, s17  }
0x8e: {  	[smem:$0x3FBD] =	sst s2  }
0x8f: {  	_ = 	snop  }
0x90: {  	s18 =	sld [smem:$0x3FD0];
	(tm) =	ssettm $0x1  }
0x91: {  	s19 =	sld [smem:$0x3FFB];
	_ =	sdelay $0x3  }
0x92: {  	_ =	strace s19  }
0x93: {  	s2 =	sld [smem:$0x3FFC];
	_ =	sdelay $0x3  }
0x94: {  	_ =	strace s2  }
0x95: {  	s2 =	sld [smem:$0x3FFD];
	_ =	sdelay $0x3  }
0x96: {  	_ =	strace s2  }
0x97: {  	_ =	strace $0x8FFFFFFF  }
0x98: {  	s20 =	sld [smem:$0x3FDB];
	_ =	sdelay $0x1  }
0x99: {  	s4 =	simm.s32 $_scs_section_size  }
0x9a: {  	s5 =	simm.s32 $_size__tile_overlayer_lowered;
	s6 =	simm.s32 $_tile_overlayer_lowered  }
0x9b: {  	s7 =	simm.s32 $0x1BFF;
	s21 =	sshll.u32 s6, $0x1;
	s4 =	sadd.s32 s4, s20  }
0x9c: {  	s22 =	simm.s32 $0x0;
	s5 =	sshll.u32 s5, $0x1;
	s6 =	sadd.s32 s21, s4  }
0x9d: {  	[timem:s22], [sflag:s7] =	dma.local [hbm:s6], s5  }
0x9e: {  	_ =	swait.ge [sflag:s7], s5  }
0x9f: {  	s5 =	ssub.s32 $0x0, s5;
	[sflag:s7] =	ssyncset.done $0x0  }
0xa0: {  	[sflag:s7] =	ssyncadd.s32 s5;
	_ =	sdelay $0x1  }
0xa1: {  	s23 =	simm.s32 $0x1B8B  }
0xa2: {  	_ =	swait.ge [sflag:s23], $0x1  }
0xa3: {  	[sflag:s23] =	ssyncset.done $0x0  }
0xa4: {  	[sflag:s23] =	ssyncadd.s32 $0xFFFFFFFF  }
0xa5: {  	s5 =	sld [smem:$0x0]  }
0xa6: {  	s6 =	sand.u32 $0xFFFFFFFE, s1  }
0xa7: {  	p0 =	sne.s32 s1, s6  }
0xa8: {  	s6 =	sshll.u32 @p0 s6, $0xE  }
0xa9: {  	s6 =	sadd.s32 @p0 $0x11B8D, s6;
	s7 =	sshll.u32 @p0 s5, $0x11  }
0xaa: {  	s6 =	sor.u32 @p0 s7, s6  }
0xab: {  	[sflag:s6] =	ssyncadd.remote.s32 @p0 $0x1;
	_ =	sdelay $0x1  }
0xac: {  	s6 =	simm.s32 @p0 $0x1B8D  }
0xad: {  	_ =	swait.eq @p0 [sflag:s6], $0x1  }
0xae: {  	[sflag:s6] =	ssyncadd.s32 @p0 $0xFFFFFFFF  }
0xaf: {  	s7 =	sshll.u32 @!p0 s1, $0xE  }
0xb0: {  	s7 =	sor.u32 @!p0 $0x4000, s7;
	s6 =	simm.s32 @!p0 $0x1B8D  }
0xb1: {  	s5 =	sshll.u32 @!p0 s5, $0x11;
	s7 =	sadd.s32 @!p0 $0x11B8D, s7;
	_ =	swait.eq @!p0 [sflag:s6], $0x1  }
0xb2: {  	s5 =	sor.u32 @!p0 s5, s7;
	[sflag:s6] =	ssyncadd.s32 @!p0 $0xFFFFFFFF  }
0xb3: {  	s25 =	simm.s32 $0x1B8E;
	s24 =	sld [smem:$0x3FFE];
	[sflag:s5] =	ssyncadd.remote.s32 @!p0 $0x1  }
0xb4: {  	s26 =	simm.s32 $execute0_lowered;
	[smem:$0x3FD2] =	sst s25  }
0xb5: {  	s6 =	sshll.u32 s26, $0x1;
	_ =	strace $0x80000049;
	[dreg:$0x1] =	wrdreg $0xFFFFFFFF  }
0xb6: {  	s28 =	simm.s32 $_size_execute0_lowered;
	s4 =	sadd.s32 s4, s6;
	[dreg:$0x0] =	wrdreg $0x0  }
0xb7: {  	s6 =	sshll.u32 s28, $0x1;
	[dreg:$0x2] =	wrdreg s4  }
0xb8: {  	[dreg:$0x3] =	wrdreg s6  }
0xb9: {  	[dreg:$0x4] =	wrdreg $0xC0  }
0xba: {  	_ =	task [dreg:s22], $0x5FFFF  }
0xbb: {  	[dreg:$0x1] =	wrdreg $0xFFFFFFFF  }
0xbc: {  	[dreg:$0x0] =	wrdreg $0x60  }
0xbd: {  	[dreg:$0x2] =	wrdreg s24  }
0xbe: {  	[dreg:$0x3] =	wrdreg s18  }
0xbf: {  	[dreg:$0x4] =	wrdreg $0x54000  }
0xc0: {  	[dreg:$0x5] =	wrdreg $0xA  }
0xc1: {  	_ =	task.clear_ibuf [dreg:s22], $0x6FFFF;
	_ =	strace $0x90000049  }
0xc2: {  	s29 =	simm.s32 $0xA;
	_ =	strace $0x8000004B  }
0xc3: {  	_ =	swait.ge [sflag:s29], $0x1  }
0xc4: {  	[sflag:s29] =	ssyncadd.s32 $0xFFFFFFFF  }
0xc5: {  	_ =	strace $0x9000004B  }
0xc6: {  	_ =	sfence  }
0xc7: {  	s30 =	sld [smem:$0x0];
	_ =	sdelay $0x2  }
0xc8: {  	s31 =	sshll.u32 s1, $0xD;
	s1 =	sshrl.u32 s1, $0x2  }
0xc9: {  	s4 =	sand.u32 $0x4000, s31;
	s1 =	sadd.s32 s1, s30  }
0xca: {  	s0 =	sor.u32 s4, s0;
	s1 =	sshll.u32 s1, $0x11  }
0xcb: {  	s0 =	sor.u32 s1, s0  }
0xcc: {  	s0 =	sadd.s32 $0x8F2B, s0  }
0xcd: {  	[sflag:s0] =	ssyncadd.remote.s32 $0x1  }
0xce: {  	_ =	sfence.sel $0xFFFF  }
0xcf: {  	[dreg:$0x0] =	wrdreg $0xFFFFFFFF;
	(pc) =	sbr.abs _section_cstart, $3  }
0xd0: {  	[dreg:$0x1] =	wrdreg $0xFFFFFFFF  }
0xd1: {  	_ =	task.clear_ibuf [dreg:s22], $0x2FFFF;
	_ =	strace $0x9FFFFFFF  }
0xd2: {  	(tm) =	ssettm $0x7FFFFFFF  }
0xd3: {  	_ =	shalt  }
tec
execute0_lowered:
.L_overlay_start_1:
0x0: {  	(tag) =	ssettag $0x1  }
0x1: {  	s0 =	rddreg [dreg:$0x0]  }
0x2: {  	s11 =	rddreg [dreg:$0x1]  }
0x3: {  	s3 =	rddreg [dreg:$0x2]  }
0x4: {  	s6 =	stileid.u32;
	s1 =	srdreg.scid  }
0x5: {  	s4 =	simm.s32 $0x0;
	s28 =	simm.s32 $0xB;
	s29 =	simm.s32 $0x200  }
0x6: {  	s2 =	smul.u32 $0x14000, s6;
	s1 =	sand.u32 $0x1, s1;
	[smem:$0x7FF] =	sst s4  }
0x7: {  	s5 =	sadd.s32 $0xB1400, s0;
	s12 =	sadd.s32 $0x15E00, s0;
	s9 =	smul.u32 $0x50000, s6  }
0x8: {  	s20 =	sshll.u32 s6, $0x1;
	s22 =	sshll.u32 s6, $0x6;
	s25 =	smul.u32 $0x4E20, s6  }
0x9: {  	s7 =	smul.u32 $0x140000, s1;
	_ =	strace $0x8000004A;
	s21 =	ssub.s32 $0x2, s1  }
0xa: {  	s30 =	sor.u32 $0x1C0B, s22;
	s8 =	sshrl.u32 s2, $0x3;
	s10 =	sshrl.u32 s21, $0x1  }
0xb: {  	s9 =	sshrl.u32 s9, $0x2;
	[dreg:$0x6] =	wrdreg s30;
	s8 =	sadd.s32 s8, s0  }
0xc: {  	s2 =	sadd.s32 s2, s7;
	s7 =	sor.u32 s1, s20;
	s1 =	smul.u32 $0x2710, s1  }
0xd: {  	s9 =	sadd.s32 s9, s3;
	s2 =	sshrl.u32 s2, $0x3;
	s7 =	smul.u32 $0x2710, s7  }
0xe: {  	[dreg:$0x4] =	wrdreg s9;
	s8 =	sadd.s32 $0x39400, s8;
	s9 =	simm.s32 $0x7  }
0xf: {  	s0 =	sadd.s32 s2, s0;
	s2 =	ssub.s32 s21, s10;
	[dreg:$0x5] =	wrdreg s8  }
0x10: {  	s1 =	sadd.s32 s1, s25;
	s8 =	simm.s32 $0x380;
	s10 =	simm.s32 $0x1  }
0x11: {  	s7 =	sshrl.u32 s7, $0x3;
	s19 =	sadd.s32 $0x230, s1;
	s0 =	sadd.s32 $0xD8600, s0  }
0x12: {  	s20 =	smax.u32 s2, $0x1;
	s2 =	simm.s32 $0x8;
	s23 =	sadd.s32 s11, s7  }
0x13: {  	s24 =	sadd.s32 s12, s7;
	s26 =	sadd.s32 $0xA, s7;
	[dreg:$0xf] =	wrdreg s0  }
0x14: {  	s31 =	sadd.s32 $0x14, s7;
	s7 =	sadd.s32 $0x1E, s7;
	[dreg:$0x10] =	wrdreg s20  }
0x15: {  	s21 =	sshrl.u32 s19, $0x3;
	s20 =	smov.u32 s12;
	[dreg:$0x7] =	wrdreg s23  }
0x16: {  	s19 =	simm.s32 $0x6;
	[dreg:$0x8] =	wrdreg s24;
	s13 =	sadd.s32 s11, s26  }
0x17: {  	s14 =	sadd.s32 s12, s26;
	s15 =	sadd.s32 s11, s31;
	[dreg:$0x9] =	wrdreg s13  }
0x18: {  	s16 =	sadd.s32 s12, s31;
	s17 =	sadd.s32 s11, s7;
	[dreg:$0xa] =	wrdreg s14  }
0x19: {  	s18 =	sadd.s32 s12, s7;
	s22 =	sadd.s32 s21, s12;
	[dreg:$0xb] =	wrdreg s15  }
0x1a: {  	s23 =	sadd.s32 $0x1E0, s1;
	s24 =	sadd.s32 $0x190, s1;
	[dreg:$0xc] =	wrdreg s16  }
0x1b: {  	s21 =	sadd.s32 s21, s11;
	s31 =	sadd.s32 $0x140, s1;
	[dreg:$0xd] =	wrdreg s17  }
0x1c: {  	s7 =	simm.s32 $0x180;
	s1 =	simm.s32 $0x0;
	[dreg:$0xe] =	wrdreg s18  }
0x1d: {  	[dreg:$0x11] =	wrdreg s22;
	s25 =	sshrl.u32 s23, $0x3;
	s26 =	sshrl.u32 s24, $0x3  }
.Ltmp0:
0x1e: {  	[dreg:$0x12] =	wrdreg s31;
	s13 =	simm.s32 $0x2;
	(pc) =	sbr.rel .LBB2_1-.Ltmp0, $4  }
0x1f: {  	s14 =	simm.s32 $0x2C00;
	s15 =	simm.s32 $0x9;
	s16 =	simm.s32 $0x5  }
0x20: {  	s17 =	simm.s32 $0x3;
	s18 =	simm.s32 $0xA;
	s22 =	sadd.s32 s25, s12  }
0x21: {  	s23 =	sadd.s32 s25, s11;
	s24 =	sadd.s32 s26, s12;
	s25 =	sadd.s32 s26, s11  }
0x22: {  	s11 =	simm.s32 $0x50;
	s12 =	simm.s32 $0x400;
	s26 =	simm.s32 $0x4  }
.LBB2_4:
0x23: {  	_ =	swait.ge [sflag:s15], $0x2800  }
0x24: {  	[sflag:s15] =	ssyncset.done $0x0  }
0x25: {  	[sflag:s15] =	ssyncadd.s32 $0xFFFFD800  }
0x26: {  	_ =	swait.ge [sflag:s16], $0x50  }
0x27: {  	[sflag:s16] =	ssyncset.done $0x0  }
0x28: {  	[sflag:s16] =	ssyncadd.s32 $0xFFFFFFB0  }
0x29: {  	[spmem:s3] =	stream.indirect.scatter.add.f32 [tilespmem:s12], [sflag:$0xB], $0x80, s29, s11, $0xb8;
	[tilespmem:$0x19400] =	vst v63  }
0x2a: {  	_ =	swait.ge [sflag:s28], $0x2800  }
0x2b: {  	[sflag:s28] =	ssyncset.done $0x0  }
0x2c: {  	[sflag:s28] =	ssyncadd.s32 $0xFFFFD800  }
0x2d: {  	[bflag:$0x0] =	sbarrier.arrive $0xFFFF  }
0x2e: {  	s30 =	rddreg [dreg:$0x6]  }
0x2f: {  	s0 =	rddreg [dreg:$0xf]  }
0x30: {  	s1 =	rddreg [dreg:$0x14]  }
0x31: {  	[hbm:s0], [sflag:s30] =	dma.local [spmem:s1], $0x2800  }
0x32: {  	_ =	swait.ge [sflag:s28], $0x2800  }
0x33: {  	s6 =	rddreg [dreg:$0x13]  }
0x34: {  	s31 =	rddreg [dreg:$0x10];
	s1 =	sadd.s32 $0x1, s6  }
0x35: {  	p0 =	sne.s32 s1, s31  }
.Ltmp1:
0x36: {  	_ = 	snop;
	(pc) =	sbr.rel @!p0 .LBB2_5-.Ltmp1, $3  }
0x37: {  	_ =	sdelay $0x1  }
0x38: {  	[sflag:s28] =	ssyncset.done $0x0  }
0x39: {  	[sflag:s28] =	ssyncadd.s32 $0xFFFFD800  }
.LBB2_1:
0x3a: {  	[dreg:$0x13] =	wrdreg s1  }
0x3b: {  	s0 =	rddreg [dreg:$0x4]  }
0x3c: {  	s6 =	rddreg [dreg:$0x5];
	s0 =	sshrl.u32 s0, $0x3  }
0x3d: {  	[dreg:$0x14] =	wrdreg s0  }
0x3e: {  	[spmem:s0], [sflag:s30] =	dma.local [hbm:s6], $0x2800  }
0x3f: {  	_ =	swait.ge [sflag:s28], $0x2800  }
0x40: {  	[sflag:s28] =	ssyncset.done $0x0  }
0x41: {  	[sflag:s28] =	ssyncadd.s32 $0xFFFFD800  }
0x42: {  	[bflag:$0x0] =	sbarrier.arrive $0xFFFF  }
0x43: {  	s6 =	rddreg [dreg:$0x7]  }
0x44: {  	[tilespmem:s4], [sflag:$0x1] =	stream.linear.gather [hbm4b:s6+s4], $0x50, $0x38;
	[tilespmem:$0x19400] =	vst v63  }
0x45: {  	s1 =	rddreg [dreg:$0x8]  }
0x46: {  	[tilespmem:s29], [sflag:$0x5] =	stream.linear.gather [hbm4b:s1+s4], $0x50, $0x38;
	[tilespmem:$0x19400] =	vst v63  }
0x47: {  	s6 =	rddreg [dreg:$0x9];
	s1 =	simm.s32 $0x80  }
0x48: {  	[tilespmem:s1], [sflag:$0x2] =	stream.linear.gather [hbm4b:s6+s4], $0x50, $0x38;
	[tilespmem:$0x19400] =	vst v63  }
0x49: {  	s0 =	rddreg [dreg:$0xa];
	s6 =	simm.s32 $0x280  }
0x4a: {  	[tilespmem:s6], [sflag:$0x6] =	stream.linear.gather [hbm4b:s0+s4], $0x50, $0x38;
	[tilespmem:$0x19400] =	vst v63  }
0x4b: {  	s0 =	rddreg [dreg:$0xb];
	s6 =	simm.s32 $0x100  }
0x4c: {  	[tilespmem:s6], [sflag:$0x3] =	stream.linear.gather [hbm4b:s0+s4], $0x50, $0x38;
	[tilespmem:$0x19400] =	vst v63  }
0x4d: {  	s0 =	rddreg [dreg:$0xc];
	s6 =	simm.s32 $0x300  }
0x4e: {  	[tilespmem:s6], [sflag:$0x7] =	stream.linear.gather [hbm4b:s0+s4], $0x50, $0x38;
	[tilespmem:$0x19400] =	vst v63  }
0x4f: {  	s6 =	rddreg [dreg:$0xd]  }
0x50: {  	[tilespmem:s7], [sflag:$0x4] =	stream.linear.gather [hbm4b:s6+s4], $0x50, $0x38;
	[tilespmem:$0x19400] =	vst v63  }
0x51: {  	s6 =	rddreg [dreg:$0xe]  }
0x52: {  	[tilespmem:s8], [sflag:$0x8] =	stream.linear.gather [hbm4b:s6+s4], $0x50, $0x38;
	[tilespmem:$0x19400] =	vst v63  }
0x53: {  	_ =	swait.ge [sflag:s10], $0x50  }
0x54: {  	[sflag:s10] =	ssyncset.done $0x0  }
0x55: {  	[sflag:s10] =	ssyncadd.s32 $0xFFFFFFB0  }
0x56: {  	[tilespmem:s12], [sflag:$0x9] =	stream.indirect.gather [hbm4b:s5+s11], $0x80, s4, s11, $0xb8;
	[tilespmem:$0x19400] =	vst v63  }
0x57: {  	_ =	swait.ge [sflag:s13], $0x50  }
0x58: {  	[sflag:s13] =	ssyncset.done $0x0  }
0x59: {  	s31 =	simm.s32 $0x0;
	s30 =	rddreg [dreg:$0x12];
	[sflag:s13] =	ssyncadd.s32 $0xFFFFFFB0  }
0x5a: {  	[tilespmem:s14], [sflag:$0xA] =	stream.indirect.gather [hbm4b:s5+s11], $0x80, s1, s11, $0xb8;
	[tilespmem:$0x19400] =	vst v63  }
.LBB2_2:
0x5b: {  	_ =	swait.ge [sflag:s15], $0x2800  }
0x5c: {  	[sflag:s15] =	ssyncset.done $0x0  }
0x5d: {  	[sflag:s15] =	ssyncadd.s32 $0xFFFFD800  }
0x5e: {  	_ =	swait.ge [sflag:s16], $0x50  }
0x5f: {  	[sflag:s16] =	ssyncset.done $0x0  }
0x60: {  	[sflag:s16] =	ssyncadd.s32 $0xFFFFFFB0  }
0x61: {  	[spmem:s3] =	stream.indirect.scatter.add.f32 [tilespmem:s12], [sflag:$0xB], $0x80, s29, s11, $0xb8;
	[tilespmem:$0x19400] =	vst v63  }
0x62: {  	_ =	swait.ge [sflag:s28], $0x2800  }
0x63: {  	[sflag:s28] =	ssyncset.done $0x0  }
0x64: {  	[sflag:s28] =	ssyncadd.s32 $0xFFFFD800  }
0x65: {  	s0 =	sshrl.u32 s30, $0x3;
	s1 =	rddreg [dreg:$0x1]  }
0x66: {  	s1 =	sadd.s32 s1, s0  }
0x67: {  	[tilespmem:s4], [sflag:$0x1] =	stream.linear.gather [hbm4b:s1+s4], $0x50, $0x38;
	[tilespmem:$0x19400] =	vst v63  }
0x68: {  	s0 =	sadd.s32 s20, s0  }
0x69: {  	[tilespmem:s29], [sflag:$0x5] =	stream.linear.gather [hbm4b:s0+s4], $0x50, $0x38;
	[tilespmem:$0x19400] =	vst v63  }
0x6a: {  	_ =	swait.ge [sflag:s17], $0x50  }
0x6b: {  	[sflag:s17] =	ssyncset.done $0x0  }
0x6c: {  	s6 =	simm.s32 $0x100;
	[sflag:s17] =	ssyncadd.s32 $0xFFFFFFB0  }
0x6d: {  	[tilespmem:s12], [sflag:$0x9] =	stream.indirect.gather [hbm4b:s5+s11], $0x80, s6, s11, $0xb8;
	[tilespmem:$0x19400] =	vst v63  }
0x6e: {  	_ =	swait.ge [sflag:s18], $0x2800  }
0x6f: {  	[sflag:s18] =	ssyncset.done $0x0  }
0x70: {  	[sflag:s18] =	ssyncadd.s32 $0xFFFFD800  }
0x71: {  	_ =	swait.ge [sflag:s19], $0x50  }
0x72: {  	[sflag:s19] =	ssyncset.done $0x0  }
0x73: {  	s1 =	simm.s32 $0x280;
	[sflag:s19] =	ssyncadd.s32 $0xFFFFFFB0  }
0x74: {  	[spmem:s3] =	stream.indirect.scatter.add.f32 [tilespmem:s14], [sflag:$0xB], $0x80, s1, s11, $0xb8;
	[tilespmem:$0x19400] =	vst v63  }
0x75: {  	p0 =	seq.s32 s31, $0x4B0;
	_ =	swait.ge [sflag:s28], $0x2800  }
0x76: {  	s0 =	sadd.s32 @!p0 s31, s25;
	[sflag:s28] =	ssyncset.done $0x0  }
0x77: {  	s6 =	simm.s32 @!p0 $0x80;
	s1 =	simm.s32 @!p0 $0x0;
	[sflag:s28] =	ssyncadd.s32 $0xFFFFD800  }
0x78: {  	[tilespmem:s6], [sflag:$0x2] =	stream.linear.gather @!p0 [hbm4b:s0+s1], $0x50, $0x38;
	[tilespmem:$0x19400] =	vst v63  }
0x79: {  	s0 =	sadd.s32 @!p0 s31, s24;
	s6 =	simm.s32 @!p0 $0x280  }
0x7a: {  	[tilespmem:s6], [sflag:$0x6] =	stream.linear.gather @!p0 [hbm4b:s0+s1], $0x50, $0x38;
	[tilespmem:$0x19400] =	vst v63  }
0x7b: {  	_ =	swait.ge [sflag:s26], $0x50  }
0x7c: {  	[sflag:s26] =	ssyncset.done $0x0  }
0x7d: {  	[sflag:s26] =	ssyncadd.s32 $0xFFFFFFB0  }
0x7e: {  	[tilespmem:s14], [sflag:$0xA] =	stream.indirect.gather [hbm4b:s5+s11], $0x80, s7, s11, $0xb8;
	[tilespmem:$0x19400] =	vst v63  }
0x7f: {  	_ =	swait.ge [sflag:s15], $0x2800  }
0x80: {  	[sflag:s15] =	ssyncset.done $0x0  }
0x81: {  	[sflag:s15] =	ssyncadd.s32 $0xFFFFD800  }
0x82: {  	_ =	swait.ge [sflag:s9], $0x50  }
0x83: {  	[sflag:s9] =	ssyncset.done $0x0  }
0x84: {  	s6 =	simm.s32 $0x300;
	[sflag:s9] =	ssyncadd.s32 $0xFFFFFFB0  }
0x85: {  	[spmem:s3] =	stream.indirect.scatter.add.f32 [tilespmem:s12], [sflag:$0xB], $0x80, s6, s11, $0xb8;
	[tilespmem:$0x19400] =	vst v63  }
0x86: {  	_ =	swait.ge [sflag:s28], $0x2800  }
0x87: {  	[sflag:s28] =	ssyncset.done $0x0  }
0x88: {  	s0 =	sadd.s32 @!p0 s31, s23;
	s6 =	simm.s32 @!p0 $0x100;
	[sflag:s28] =	ssyncadd.s32 $0xFFFFD800  }
0x89: {  	[tilespmem:s6], [sflag:$0x3] =	stream.linear.gather @!p0 [hbm4b:s0+s1], $0x50, $0x38;
	[tilespmem:$0x19400] =	vst v63  }
0x8a: {  	s0 =	sadd.s32 @!p0 s31, s22;
	s6 =	simm.s32 @!p0 $0x300  }
0x8b: {  	[tilespmem:s6], [sflag:$0x7] =	stream.linear.gather @!p0 [hbm4b:s0+s1], $0x50, $0x38;
	[tilespmem:$0x19400] =	vst v63  }
0x8c: {  	_ =	swait.ge [sflag:s10], $0x50  }
0x8d: {  	[sflag:s10] =	ssyncset.done $0x0  }
0x8e: {  	[sflag:s10] =	ssyncadd.s32 $0xFFFFFFB0  }
0x8f: {  	[tilespmem:s12], [sflag:$0x9] =	stream.indirect.gather [hbm4b:s5+s11], $0x80, s4, s11, $0xb8;
	[tilespmem:$0x19400] =	vst v63  }
0x90: {  	_ =	swait.ge [sflag:s18], $0x2800  }
0x91: {  	[sflag:s18] =	ssyncset.done $0x0  }
0x92: {  	[sflag:s18] =	ssyncadd.s32 $0xFFFFD800  }
0x93: {  	_ =	swait.ge [sflag:s2], $0x50  }
0x94: {  	[sflag:s2] =	ssyncset.done $0x0  }
.Ltmp2:
0x95: {  	[sflag:s2] =	ssyncadd.s32 $0xFFFFFFB0;
	(pc) =	sbr.rel @p0 .LBB2_4-.Ltmp2, $4  }
0x96: {  	[spmem:s3] =	stream.indirect.scatter.add.f32 [tilespmem:s14], [sflag:$0xB], $0x80, s8, s11, $0xb8;
	[tilespmem:$0x19400] =	vst v63  }
0x97: {  	_ =	swait.ge [sflag:s28], $0x2800  }
0x98: {  	[sflag:s28] =	ssyncset.done $0x0  }
0x99: {  	[sflag:s28] =	ssyncadd.s32 $0xFFFFD800  }
0x9a: {  	s0 =	sadd.s32 s31, s21;
	s1 =	rddreg [dreg:$0x11]  }
0x9b: {  	[tilespmem:s7], [sflag:$0x4] =	stream.linear.gather [hbm4b:s0+s4], $0x50, $0x38;
	[tilespmem:$0x19400] =	vst v63  }
0x9c: {  	s0 =	sadd.s32 s31, s1  }
0x9d: {  	[tilespmem:s8], [sflag:$0x8] =	stream.linear.gather [hbm4b:s0+s4], $0x50, $0x38;
	[tilespmem:$0x19400] =	vst v63  }
.Ltmp3:
0x9e: {  	_ = 	snop;
	(pc) =	sbr.rel .LBB2_2-.Ltmp3, $4  }
0x9f: {  	_ =	swait.ge [sflag:s13], $0x50  }
0xa0: {  	s6 =	simm.s32 $0x80;
	[sflag:s13] =	ssyncset.done $0x0  }
0xa1: {  	s30 =	sadd.s32 $0x140, s30;
	s31 =	sadd.s32 $0x28, s31;
	[sflag:s13] =	ssyncadd.s32 $0xFFFFFFB0  }
0xa2: {  	[tilespmem:s14], [sflag:$0xA] =	stream.indirect.gather [hbm4b:s5+s11], $0x80, s6, s11, $0xb8;
	[tilespmem:$0x19400] =	vst v63  }
.LBB2_5:
0xa3: {  	_ =	sfence.sel $0x180000  }
0xa4: {  	[bflag:$0x0] =	sbarrier.arrive $0xFFFF  }
0xa5: {  	_ =	strace $0x9000004A  }
0xa6: {  	s0 =	stileid.u32;
	[bflag:$0x2] =	sbarrier.arrive $0xFFFF  }
0xa7: {  	p0 =	sne.s32 s0, $0x0;
	s0 =	rddreg [dreg:$0x3]  }
0xa8: {  	s0 =	sadd.s32 @!p0 $0x100000, s0  }
0xa9: {  	[sflag:s0] =	ssyncadd.tile.s32 @!p0 $0x1;
	_ =	shalt  }
.Lfunc_end2:
_tile_overlayer_lowered:
.L_overlay_start_2:
0xaa: {  	(tag) =	ssettag $0x2  }
0xab: {  	s0 =	rddreg [dreg:$0x0];
	s2 =	stileid.u32  }
0xac: {  	s1 =	rddreg [dreg:$0x1];
	p0 =	sne.s32 s2, $0x0  }
0xad: {  	s3 =	rddreg [dreg:$0x2];
	[bflag:$0x3] =	sbarrier.arrive $0xFFFF;
	s2 =	simm.s32 @!p0 $0x1C0B  }
0xae: {  	[timem:s3], [sflag:s2] =	dma.local @!p0 [hbm:s0], s1  }
0xaf: {  	s0 =	simm.s32 @!p0 $0xB  }
0xb0: {  	_ =	swait.ge @!p0 [sflag:s0], s1  }
0xb1: {  	s1 =	ssub.s32 @!p0 $0x0, s1;
	[sflag:s0] =	ssyncset.done @!p0 $0x0  }
0xb2: {  	[sflag:s0] =	ssyncadd.s32 @!p0 s1  }
0xb3: {  	[bflag:$0x3] =	sbarrier.arrive $0xFFFF  }
0xb4: {  	_ =	shalt  }

// kernel: kernel.14.cloned.1.call-start
scs
__scs_entry_jumppad:
0x0: {  	(pc) =	sbr.rel $0x88, $3  }
0x1: {  	(tag) =	ssettag $0x0;
	lr =	simm.s32 $0x1  }
0x2: {  	[smem:$0x3F96] =	sst lr;
	_ =	strace $0xD0000000  }
0x3: {  	_ = 	snop  }
0x4: {  	_ = 	snop  }
0x5: {  	_ = 	snop  }
0x6: {  	_ = 	snop  }
0x7: {  	_ = 	snop  }
__scs_overlays_trampoline_lowered:
0x8: {  	[smem:$0x3FA5] =	sst s0  }
0x9: {  	[smem:$0x3FA6] =	sst s1  }
0xa: {  	[smem:$0x3FA7] =	sst s2  }
0xb: {  	[smem:$0x3FA8] =	sst s3  }
0xc: {  	[smem:$0x3FA9] =	sst s4  }
0xd: {  	[smem:$0x3FAA] =	sst s5  }
0xe: {  	[smem:$0x3FAB] =	sst s6  }
0xf: {  	[smem:$0x3FAC] =	sst s7  }
0x10: {  	[smem:$0x3FAD] =	sst s8  }
0x11: {  	[smem:$0x3FAE] =	sst s9;
	s0 =	simm.s32 @!p0 $0x0  }
0x12: {  	s1 =	sld [smem:$0x3F94];
	s0 =	simm.s32 @p0 $0x1  }
0x13: {  	[smem:$0x3FAF] =	sst s0;
	s0 =	simm.s32 @!p1 $0x0  }
0x14: {  	s2 =	sld [smem:$0x3F93];
	s0 =	simm.s32 @p1 $0x1  }
0x15: {  	[smem:$0x3FB0] =	sst s0;
	s0 =	simm.s32 @!p2 $0x0  }
0x16: {  	s3 =	sld [smem:$0x3FDB];
	s0 =	simm.s32 @p2 $0x1  }
0x17: {  	s4 =	simm.s32 $0x1BF5;
	[smem:$0x3FB2] =	sst s0  }
0x18: {  	s0 =	sld [smem:$0x3F95];
	_ =	swait.ge [sflag:s4], $0x0  }
0x19: {  	s7 =	sld [smem:$0x3F96]  }
0x1a: {  	s8 =	sadd.s32 $0xFFFFE003, lr  }
0x1b: {  	s9 =	sadd.s32 $0xFFFFFEF7, lr;
	s5 =	simm.s32 $0xFFFFFFFF;
	p2 =	slt.u32 s8, $0xFFFFF086  }
0x1c: {  	p1 =	slt.u32 s9, $0xF7A;
	s5 =	simm.s32 @!p2 $0x0  }
0x1d: {  	s5 =	simm.s32 @p1 $0x1;
	p0 =	seq.s32 s7, s2  }
0x1e: {  	s7 =	smul.u32 @!p0 $0xF7A, s2;
	p2 =	seq.s32 @!p0 s5, $0x0  }
0x1f: {  	s9 =	smul.u32 $0xF7A, s1;
	s8 =	simm.s32 @!p0 $0x1BF5;
	p2 =	por !p2, p0  }
0x20: {  	[sflag:s8] =	ssyncset.s32 @!p0 $0xFFFFF086;
	s6 =	sadd.s32 @!p0 s3, s7;
	s7 =	simm.s32 @!p0 $0x108  }
0x21: {  	s3 =	sadd.s32 s3, s9;
	s6 =	sadd.s32 @!p0 $0x88, s6;
	s7 =	simm.s32 @p2 $0x1082  }
0x22: {  	[simem:s7], [sflag:s8] =	dma.local @!p0 [hbm:s6], $0xF7A  }
0x23: {  	s9 =	sor.u32 $0xD0000000, s2;
	s6 =	simm.s32 $0x108;
	_ =	swait.ge @!p0 [sflag:s8], $0x0  }
0x24: {  	s3 =	sadd.s32 $0x88, s3;
	s6 =	simm.s32 @!p1 $0x1082;
	[sflag:s4] =	ssyncset.s32 $0xFFFFF086  }
0x25: {  	[simem:s6], [sflag:s4] =	dma.local [hbm:s3], $0xF7A  }
0x26: {  	[smem:$0x3F96] =	sst s1;
	(tag) =	ssettag s2;
	_ =	strace s9  }
0x27: {  	s1 =	sld [smem:$0x3FA6]  }
0x28: {  	s2 =	sld [smem:$0x3FA7]  }
0x29: {  	s4 =	sld [smem:$0x3FA9]  }
0x2a: {  	p0 =	seq.s32 s5, $0x0;
	s5 =	sld [smem:$0x3FAA]  }
0x2b: {  	s6 =	sld [smem:$0x3FAB]  }
0x2c: {  	s7 =	sld [smem:$0x3FAC]  }
0x2d: {  	s3 =	simm.s32 $0x108;
	s8 =	sld [smem:$0x3FAD]  }
0x2e: {  	s3 =	simm.s32 @!p0 $0x1082;
	s9 =	sld [smem:$0x3FAE]  }
0x2f: {  	lr =	sadd.s32 s0, s3;
	s0 =	sld [smem:$0x3FA5]  }
0x30: {  	s3 =	sld [smem:$0x3FA8]  }
0x31: {  	[smem:$0x3FB1] =	sst s10  }
0x32: {  	s10 =	sld [smem:$0x3FAF];
	_ =	sdelay $0x3  }
0x33: {  	p0 =	seq.s32 s10, $0x1;
	s10 =	sld [smem:$0x3FB1];
	_ =	sdelay $0x3  }
0x34: {  	[smem:$0x3FB1] =	sst s10  }
0x35: {  	s10 =	sld [smem:$0x3FB0];
	_ =	sdelay $0x3  }
0x36: {  	p1 =	seq.s32 s10, $0x1;
	s10 =	sld [smem:$0x3FB1];
	_ =	sdelay $0x3  }
0x37: {  	[smem:$0x3FB1] =	sst s10  }
0x38: {  	s10 =	sld [smem:$0x3FB2]  }
0x39: {  	_ = 	snop;
	(pc) =	sbr.ind lr, $3  }
0x3a: {  	_ = 	snop  }
0x3b: {  	_ = 	snop  }
0x3c: {  	p2 =	seq.s32 s10, $0x1;
	s10 =	sld [smem:$0x3FB1]  }
0x3d: {  	_ =	shalt  }
0x3e: {  	_ =	shalt  }
0x3f: {  	_ =	shalt  }
0x40: {  	_ =	shalt  }
0x41: {  	_ =	shalt  }
0x42: {  	_ =	shalt  }
0x43: {  	_ =	shalt  }
0x44: {  	_ =	shalt  }
0x45: {  	_ =	shalt  }
0x46: {  	_ =	shalt  }
0x47: {  	_ =	shalt  }
0x48: {  	_ =	shalt  }
0x49: {  	_ =	shalt  }
0x4a: {  	_ =	shalt  }
0x4b: {  	_ =	shalt  }
0x4c: {  	_ =	shalt  }
0x4d: {  	_ =	shalt  }
0x4e: {  	_ =	shalt  }
0x4f: {  	_ =	shalt  }
0x50: {  	_ =	shalt  }
0x51: {  	_ =	shalt  }
0x52: {  	_ =	shalt  }
0x53: {  	_ =	shalt  }
0x54: {  	_ =	shalt  }
0x55: {  	_ =	shalt  }
0x56: {  	_ =	shalt  }
0x57: {  	_ =	shalt  }
0x58: {  	_ =	shalt  }
0x59: {  	_ =	shalt  }
0x5a: {  	_ =	shalt  }
0x5b: {  	_ =	shalt  }
0x5c: {  	_ =	shalt  }
0x5d: {  	_ =	shalt  }
0x5e: {  	_ =	shalt  }
0x5f: {  	_ =	shalt  }
0x60: {  	_ =	shalt  }
0x61: {  	_ =	shalt  }
0x62: {  	_ =	shalt  }
0x63: {  	_ =	shalt  }
0x64: {  	_ =	shalt  }
0x65: {  	_ =	shalt  }
0x66: {  	_ =	shalt  }
0x67: {  	_ =	shalt  }
0x68: {  	_ =	shalt  }
0x69: {  	_ =	shalt  }
0x6a: {  	_ =	shalt  }
0x6b: {  	_ =	shalt  }
0x6c: {  	_ =	shalt  }
0x6d: {  	_ =	shalt  }
0x6e: {  	_ =	shalt  }
0x6f: {  	_ =	shalt  }
0x70: {  	_ =	shalt  }
0x71: {  	_ =	shalt  }
0x72: {  	_ =	shalt  }
0x73: {  	_ =	shalt  }
0x74: {  	_ =	shalt  }
0x75: {  	_ =	shalt  }
0x76: {  	_ =	shalt  }
0x77: {  	_ =	shalt  }
0x78: {  	_ =	shalt  }
0x79: {  	_ =	shalt  }
0x7a: {  	_ =	shalt  }
0x7b: {  	_ =	shalt  }
0x7c: {  	_ =	shalt  }
0x7d: {  	_ =	shalt  }
0x7e: {  	_ =	shalt  }
0x7f: {  	_ =	shalt  }
0x80: {  	_ =	shalt  }
0x81: {  	_ =	shalt  }
0x82: {  	_ =	shalt  }
0x83: {  	_ =	shalt  }
0x84: {  	_ =	shalt  }
0x85: {  	_ =	shalt  }
0x86: {  	_ =	shalt  }
0x87: {  	_ =	shalt  }
.Lfunc_end0:
.L_simem_size_0:
called_computation.2_lowered:
.L_overlay_start_0:
0x88: {  	s2 =	sld [smem:$0x3FD9]  }
0x89: {  	s3 =	sld [smem:$0x3FFE];
	_ =	sdelay $0x1  }
0x8a: {  	s1 =	srdreg.scid  }
0x8b: {  	s0 =	sand.u32 $0x1, s1  }
0x8c: {  	s16 =	sshll.u32 s0, $0xA;
	s2 =	sadd.s32 s3, s2  }
0x8d: {  	s2 =	sadd.s32 s2, s16  }
0x8e: {  	[smem:$0x3FBD] =	sst s2  }
0x8f: {  	_ = 	snop  }
0x90: {  	(tm) =	ssettm $0x1  }
0x91: {  	s17 =	sld [smem:$0x3FFB];
	_ =	sdelay $0x3  }
0x92: {  	_ =	strace s17  }
0x93: {  	s2 =	sld [smem:$0x3FFC];
	_ =	sdelay $0x3  }
0x94: {  	_ =	strace s2  }
0x95: {  	s2 =	sld [smem:$0x3FFD];
	_ =	sdelay $0x3  }
0x96: {  	_ =	strace s2  }
0x97: {  	_ =	strace $0x8FFFFFFF  }
0x98: {  	s18 =	sld [smem:$0x3FDB];
	_ =	sdelay $0x1  }
0x99: {  	s19 =	simm.s32 $_scs_section_size  }
0x9a: {  	s4 =	simm.s32 $_size__tile_overlayer_lowered;
	s5 =	simm.s32 $_tile_overlayer_lowered  }
0x9b: {  	s22 =	simm.s32 $0x1BFF;
	s21 =	sshll.u32 s5, $0x1;
	s2 =	sadd.s32 s19, s18  }
0x9c: {  	s6 =	simm.s32 $0x0;
	s20 =	sshll.u32 s4, $0x1;
	s4 =	sadd.s32 s21, s2  }
0x9d: {  	[timem:s6], [sflag:s22] =	dma.local [hbm:s4], s20  }
0x9e: {  	_ =	swait.ge [sflag:s22], s20  }
0x9f: {  	s3 =	ssub.s32 $0x0, s20;
	[sflag:s22] =	ssyncset.done $0x0  }
0xa0: {  	[sflag:s22] =	ssyncadd.s32 s3;
	_ =	sdelay $0x1  }
0xa1: {  	s23 =	simm.s32 $0x1B8B  }
0xa2: {  	_ =	swait.ge [sflag:s23], $0x1  }
0xa3: {  	[sflag:s23] =	ssyncset.done $0x0  }
0xa4: {  	s25 =	simm.s32 $0x1B8E;
	s24 =	sld [smem:$0x3FFE];
	[sflag:s23] =	ssyncadd.s32 $0xFFFFFFFF  }
0xa5: {  	s26 =	simm.s32 $execute0_lowered;
	[smem:$0x3FD2] =	sst s25  }
0xa6: {  	s4 =	sshll.u32 s26, $0x1;
	_ =	strace $0x8000004C;
	[dreg:$0x1] =	wrdreg $0xFFFFFFFF  }
0xa7: {  	s28 =	simm.s32 $_size_execute0_lowered;
	s2 =	sadd.s32 s2, s4;
	[dreg:$0x0] =	wrdreg $0x0  }
0xa8: {  	s4 =	sshll.u32 s28, $0x1;
	[dreg:$0x2] =	wrdreg s2  }
0xa9: {  	[dreg:$0x3] =	wrdreg s4  }
0xaa: {  	[dreg:$0x4] =	wrdreg $0xC0  }
0xab: {  	_ =	task [dreg:s6], $0x5FFFF  }
0xac: {  	[dreg:$0x1] =	wrdreg $0xFFFFFFFF  }
0xad: {  	[dreg:$0x0] =	wrdreg $0x60  }
0xae: {  	[dreg:$0x2] =	wrdreg s24  }
0xaf: {  	[dreg:$0x3] =	wrdreg $0x54000  }
0xb0: {  	[dreg:$0x4] =	wrdreg $0x9  }
0xb1: {  	_ =	task.clear_ibuf [dreg:s6], $0x5FFFF;
	_ =	strace $0x9000004C  }
0xb2: {  	s29 =	simm.s32 $0x9;
	_ =	strace $0x8000004E  }
0xb3: {  	_ =	swait.ge [sflag:s29], $0x1  }
0xb4: {  	[sflag:s29] =	ssyncadd.s32 $0xFFFFFFFF  }
0xb5: {  	_ =	strace $0x9000004E  }
0xb6: {  	_ =	sfence  }
0xb7: {  	s30 =	sld [smem:$0x0];
	_ =	sdelay $0x2  }
0xb8: {  	s31 =	sshll.u32 s1, $0xD;
	s1 =	sshrl.u32 s1, $0x2  }
0xb9: {  	s3 =	sand.u32 $0x4000, s31;
	s1 =	sadd.s32 s1, s30  }
0xba: {  	s0 =	sor.u32 s3, s0;
	s1 =	sshll.u32 s1, $0x11  }
0xbb: {  	s0 =	sor.u32 s1, s0  }
0xbc: {  	s0 =	sadd.s32 $0x8F2B, s0  }
0xbd: {  	[sflag:s0] =	ssyncadd.remote.s32 $0x1  }
0xbe: {  	_ =	sfence.sel $0xFFFF  }
0xbf: {  	[dreg:$0x0] =	wrdreg $0xFFFFFFFF;
	(pc) =	sbr.abs _section_cstart, $3  }
0xc0: {  	[dreg:$0x1] =	wrdreg $0xFFFFFFFF  }
0xc1: {  	_ =	task.clear_ibuf [dreg:s6], $0x2FFFF;
	_ =	strace $0x9FFFFFFF  }
0xc2: {  	(tm) =	ssettm $0x7FFFFFFF  }
0xc3: {  	_ =	shalt  }
tec
execute0_lowered:
.L_overlay_start_1:
0x0: {  	(tag) =	ssettag $0x1  }
0x1: {  	s0 =	rddreg [dreg:$0x0]  }
0x2: {  	s2 =	rddreg [dreg:$0x1];
	s3 =	simm.s32 $0x0;
	s5 =	stileid.u32  }
0x3: {  	s1 =	srdreg.scid;
	s28 =	simm.s32 $0xB;
	s29 =	simm.s32 $0x200  }
0x4: {  	s30 =	simm.s32 $0x8;
	[smem:$0x7FF] =	sst s3;
	s7 =	smul.u32 $0x14000, s5  }
0x5: {  	s1 =	sand.u32 $0x1, s1;
	s4 =	sadd.s32 $0x61400, s0;
	s6 =	sadd.s32 $0x2200, s0  }
0x6: {  	s12 =	sadd.s32 $0xC000, s0;
	s18 =	sshll.u32 s5, $0x1;
	s10 =	smul.u32 $0x50000, s5  }
0x7: {  	s20 =	sshll.u32 s5, $0x6;
	s23 =	smul.u32 $0x4E20, s5;
	_ =	strace $0x8000004D  }
0x8: {  	s8 =	smul.u32 $0x140000, s1;
	s19 =	ssub.s32 $0x2, s1;
	s31 =	sor.u32 $0x1C0B, s20  }
0x9: {  	s9 =	sshrl.u32 s7, $0x3;
	s11 =	sshrl.u32 s19, $0x1;
	s10 =	sshrl.u32 s10, $0x2  }
0xa: {  	[dreg:$0x5] =	wrdreg s31;
	s9 =	sadd.s32 s9, s0;
	s7 =	sadd.s32 s7, s8  }
0xb: {  	s8 =	sor.u32 s1, s18;
	s10 =	sadd.s32 s10, s2;
	s1 =	smul.u32 $0x2710, s1  }
0xc: {  	s7 =	sshrl.u32 s7, $0x3;
	s8 =	smul.u32 $0x2710, s8;
	[dreg:$0x3] =	wrdreg s10  }
0xd: {  	s9 =	sadd.s32 $0x39400, s9;
	s10 =	simm.s32 $0x1;
	s0 =	sadd.s32 s7, s0  }
0xe: {  	s7 =	ssub.s32 s19, s11;
	[dreg:$0x4] =	wrdreg s9;
	s1 =	sadd.s32 s1, s23  }
0xf: {  	s11 =	simm.s32 $0x50;
	s9 =	simm.s32 $0x7;
	s8 =	sshrl.u32 s8, $0x3  }
0x10: {  	s18 =	sadd.s32 $0x230, s1;
	s0 =	sadd.s32 $0x88600, s0;
	s19 =	smax.u32 s7, $0x1  }
0x11: {  	s23 =	sadd.s32 $0x190, s1;
	s7 =	simm.s32 $0x180;
	[dreg:$0xe] =	wrdreg s0  }
0x12: {  	s21 =	sadd.s32 s6, s8;
	s22 =	sadd.s32 s12, s8;
	[dreg:$0xf] =	wrdreg s19  }
0x13: {  	s24 =	sadd.s32 $0xA, s8;
	s25 =	sadd.s32 $0x14, s8;
	[dreg:$0x6] =	wrdreg s21  }
0x14: {  	s8 =	sadd.s32 $0x1E, s8;
	[dreg:$0x7] =	wrdreg s22;
	s26 =	sadd.s32 s6, s24  }
0x15: {  	s20 =	sshrl.u32 s18, $0x3;
	s13 =	sadd.s32 s12, s24;
	[dreg:$0x8] =	wrdreg s26  }
0x16: {  	s18 =	simm.s32 $0xA;
	s14 =	sadd.s32 s6, s25;
	[dreg:$0x9] =	wrdreg s13  }
0x17: {  	s19 =	simm.s32 $0x6;
	s15 =	sadd.s32 s12, s25;
	[dreg:$0xa] =	wrdreg s14  }
0x18: {  	s16 =	sadd.s32 s6, s8;
	s17 =	sadd.s32 s12, s8;
	[dreg:$0xb] =	wrdreg s15  }
0x19: {  	s21 =	sadd.s32 s20, s12;
	s22 =	sadd.s32 $0x1E0, s1;
	[dreg:$0xc] =	wrdreg s16  }
0x1a: {  	s0 =	sadd.s32 s20, s6;
	s25 =	sshrl.u32 s23, $0x3;
	[dreg:$0xd] =	wrdreg s17  }
0x1b: {  	s20 =	smov.u32 s6;
	s8 =	simm.s32 $0x380;
	[dreg:$0x10] =	wrdreg s21  }
0x1c: {  	[dreg:$0x11] =	wrdreg s0;
	s24 =	sshrl.u32 s22, $0x3;
	s21 =	smov.u32 s12  }
.Ltmp0:
0x1d: {  	s26 =	sadd.s32 $0x140, s1;
	s13 =	simm.s32 $0x2;
	(pc) =	sbr.rel .LBB2_1-.Ltmp0, $4  }
0x1e: {  	s14 =	simm.s32 $0x2C00;
	s15 =	simm.s32 $0x9;
	s16 =	simm.s32 $0x5  }
0x1f: {  	s17 =	simm.s32 $0x3;
	s1 =	simm.s32 $0x0;
	s22 =	sadd.s32 s24, s12  }
0x20: {  	s23 =	sadd.s32 s24, s6;
	s24 =	sadd.s32 s25, s12;
	s25 =	sadd.s32 s25, s6  }
0x21: {  	[dreg:$0x12] =	wrdreg s26;
	s12 =	simm.s32 $0x400;
	s26 =	simm.s32 $0x4  }
.LBB2_4:
0x22: {  	_ =	swait.ge [sflag:s15], $0x2800  }
0x23: {  	[sflag:s15] =	ssyncset.done $0x0  }
0x24: {  	[sflag:s15] =	ssyncadd.s32 $0xFFFFD800  }
0x25: {  	_ =	swait.ge [sflag:s16], $0x50  }
0x26: {  	[sflag:s16] =	ssyncset.done $0x0  }
0x27: {  	[sflag:s16] =	ssyncadd.s32 $0xFFFFFFB0  }
0x28: {  	[spmem:s2] =	stream.indirect.scatter.add.f32 [tilespmem:s12], [sflag:$0xB], $0x80, s29, s11, $0xb8;
	[tilespmem:$0x19400] =	vst v63  }
0x29: {  	_ =	swait.ge [sflag:s28], $0x2800  }
0x2a: {  	[sflag:s28] =	ssyncset.done $0x0  }
0x2b: {  	[sflag:s28] =	ssyncadd.s32 $0xFFFFD800  }
0x2c: {  	[bflag:$0x0] =	sbarrier.arrive $0xFFFF  }
0x2d: {  	s31 =	rddreg [dreg:$0x5]  }
0x2e: {  	s0 =	rddreg [dreg:$0xe]  }
0x2f: {  	s1 =	rddreg [dreg:$0x14]  }
0x30: {  	[hbm:s0], [sflag:s31] =	dma.local [spmem:s1], $0x2800  }
0x31: {  	_ =	swait.ge [sflag:s28], $0x2800  }
0x32: {  	s5 =	rddreg [dreg:$0x13]  }
0x33: {  	s6 =	rddreg [dreg:$0xf];
	s1 =	sadd.s32 $0x1, s5  }
0x34: {  	p0 =	sne.s32 s1, s6  }
.Ltmp1:
0x35: {  	_ = 	snop;
	(pc) =	sbr.rel @!p0 .LBB2_5-.Ltmp1, $3  }
0x36: {  	_ =	sdelay $0x1  }
0x37: {  	[sflag:s28] =	ssyncset.done $0x0  }
0x38: {  	[sflag:s28] =	ssyncadd.s32 $0xFFFFD800  }
.LBB2_1:
0x39: {  	[dreg:$0x13] =	wrdreg s1  }
0x3a: {  	s0 =	rddreg [dreg:$0x3]  }
0x3b: {  	s5 =	rddreg [dreg:$0x4];
	s0 =	sshrl.u32 s0, $0x3  }
0x3c: {  	[dreg:$0x14] =	wrdreg s0  }
0x3d: {  	[spmem:s0], [sflag:s31] =	dma.local [hbm:s5], $0x2800  }
0x3e: {  	_ =	swait.ge [sflag:s28], $0x2800  }
0x3f: {  	[sflag:s28] =	ssyncset.done $0x0  }
0x40: {  	[sflag:s28] =	ssyncadd.s32 $0xFFFFD800  }
0x41: {  	[bflag:$0x0] =	sbarrier.arrive $0xFFFF  }
0x42: {  	s6 =	rddreg [dreg:$0x6]  }
0x43: {  	[tilespmem:s3], [sflag:$0x1] =	stream.linear.gather [hbm4b:s6+s3], $0x50, $0x38;
	[tilespmem:$0x19400] =	vst v63  }
0x44: {  	s1 =	rddreg [dreg:$0x7]  }
0x45: {  	[tilespmem:s29], [sflag:$0x5] =	stream.linear.gather [hbm4b:s1+s3], $0x50, $0x38;
	[tilespmem:$0x19400] =	vst v63  }
0x46: {  	s5 =	rddreg [dreg:$0x8];
	s1 =	simm.s32 $0x80  }
0x47: {  	[tilespmem:s1], [sflag:$0x2] =	stream.linear.gather [hbm4b:s5+s3], $0x50, $0x38;
	[tilespmem:$0x19400] =	vst v63  }
0x48: {  	s6 =	rddreg [dreg:$0x9];
	s5 =	simm.s32 $0x280  }
0x49: {  	[tilespmem:s5], [sflag:$0x6] =	stream.linear.gather [hbm4b:s6+s3], $0x50, $0x38;
	[tilespmem:$0x19400] =	vst v63  }
0x4a: {  	s5 =	rddreg [dreg:$0xa];
	s6 =	simm.s32 $0x100  }
0x4b: {  	[tilespmem:s6], [sflag:$0x3] =	stream.linear.gather [hbm4b:s5+s3], $0x50, $0x38;
	[tilespmem:$0x19400] =	vst v63  }
0x4c: {  	s5 =	rddreg [dreg:$0xb];
	s6 =	simm.s32 $0x300  }
0x4d: {  	[tilespmem:s6], [sflag:$0x7] =	stream.linear.gather [hbm4b:s5+s3], $0x50, $0x38;
	[tilespmem:$0x19400] =	vst v63  }
0x4e: {  	s5 =	rddreg [dreg:$0xc]  }
0x4f: {  	[tilespmem:s7], [sflag:$0x4] =	stream.linear.gather [hbm4b:s5+s3], $0x50, $0x38;
	[tilespmem:$0x19400] =	vst v63  }
0x50: {  	s6 =	rddreg [dreg:$0xd]  }
0x51: {  	[tilespmem:s8], [sflag:$0x8] =	stream.linear.gather [hbm4b:s6+s3], $0x50, $0x38;
	[tilespmem:$0x19400] =	vst v63  }
0x52: {  	_ =	swait.ge [sflag:s10], $0x50  }
0x53: {  	[sflag:s10] =	ssyncset.done $0x0  }
0x54: {  	[sflag:s10] =	ssyncadd.s32 $0xFFFFFFB0  }
0x55: {  	[tilespmem:s12], [sflag:$0x9] =	stream.indirect.gather [hbm4b:s4+s11], $0x80, s3, s11, $0xb8;
	[tilespmem:$0x19400] =	vst v63  }
0x56: {  	_ =	swait.ge [sflag:s13], $0x50  }
0x57: {  	[sflag:s13] =	ssyncset.done $0x0  }
0x58: {  	s0 =	simm.s32 $0x0;
	s31 =	rddreg [dreg:$0x12];
	[sflag:s13] =	ssyncadd.s32 $0xFFFFFFB0  }
0x59: {  	[tilespmem:s14], [sflag:$0xA] =	stream.indirect.gather [hbm4b:s4+s11], $0x80, s1, s11, $0xb8;
	[tilespmem:$0x19400] =	vst v63  }
.LBB2_2:
0x5a: {  	_ =	swait.ge [sflag:s15], $0x2800  }
0x5b: {  	[sflag:s15] =	ssyncset.done $0x0  }
0x5c: {  	[sflag:s15] =	ssyncadd.s32 $0xFFFFD800  }
0x5d: {  	_ =	swait.ge [sflag:s16], $0x50  }
0x5e: {  	[sflag:s16] =	ssyncset.done $0x0  }
0x5f: {  	[sflag:s16] =	ssyncadd.s32 $0xFFFFFFB0  }
0x60: {  	[spmem:s2] =	stream.indirect.scatter.add.f32 [tilespmem:s12], [sflag:$0xB], $0x80, s29, s11, $0xb8;
	[tilespmem:$0x19400] =	vst v63  }
0x61: {  	_ =	swait.ge [sflag:s28], $0x2800  }
0x62: {  	s1 =	sshrl.u32 s31, $0x3;
	[sflag:s28] =	ssyncset.done $0x0  }
0x63: {  	s5 =	sadd.s32 s20, s1;
	[sflag:s28] =	ssyncadd.s32 $0xFFFFD800  }
0x64: {  	[tilespmem:s3], [sflag:$0x1] =	stream.linear.gather [hbm4b:s5+s3], $0x50, $0x38;
	[tilespmem:$0x19400] =	vst v63  }
0x65: {  	s1 =	sadd.s32 s21, s1  }
0x66: {  	[tilespmem:s29], [sflag:$0x5] =	stream.linear.gather [hbm4b:s1+s3], $0x50, $0x38;
	[tilespmem:$0x19400] =	vst v63  }
0x67: {  	_ =	swait.ge [sflag:s17], $0x50  }
0x68: {  	[sflag:s17] =	ssyncset.done $0x0  }
0x69: {  	s6 =	simm.s32 $0x100;
	[sflag:s17] =	ssyncadd.s32 $0xFFFFFFB0  }
0x6a: {  	[tilespmem:s12], [sflag:$0x9] =	stream.indirect.gather [hbm4b:s4+s11], $0x80, s6, s11, $0xb8;
	[tilespmem:$0x19400] =	vst v63  }
0x6b: {  	_ =	swait.ge [sflag:s18], $0x2800  }
0x6c: {  	[sflag:s18] =	ssyncset.done $0x0  }
0x6d: {  	[sflag:s18] =	ssyncadd.s32 $0xFFFFD800  }
0x6e: {  	_ =	swait.ge [sflag:s19], $0x50  }
0x6f: {  	[sflag:s19] =	ssyncset.done $0x0  }
0x70: {  	s5 =	simm.s32 $0x280;
	[sflag:s19] =	ssyncadd.s32 $0xFFFFFFB0  }
0x71: {  	[spmem:s2] =	stream.indirect.scatter.add.f32 [tilespmem:s14], [sflag:$0xB], $0x80, s5, s11, $0xb8;
	[tilespmem:$0x19400] =	vst v63  }
0x72: {  	p0 =	seq.s32 s0, $0x4B0;
	_ =	swait.ge [sflag:s28], $0x2800  }
0x73: {  	s1 =	sadd.s32 @!p0 s0, s25;
	[sflag:s28] =	ssyncset.done $0x0  }
0x74: {  	s6 =	simm.s32 @!p0 $0x80;
	s5 =	simm.s32 @!p0 $0x0;
	[sflag:s28] =	ssyncadd.s32 $0xFFFFD800  }
0x75: {  	[tilespmem:s6], [sflag:$0x2] =	stream.linear.gather @!p0 [hbm4b:s1+s5], $0x50, $0x38;
	[tilespmem:$0x19400] =	vst v63  }
0x76: {  	s1 =	sadd.s32 @!p0 s0, s24;
	s6 =	simm.s32 @!p0 $0x280  }
0x77: {  	[tilespmem:s6], [sflag:$0x6] =	stream.linear.gather @!p0 [hbm4b:s1+s5], $0x50, $0x38;
	[tilespmem:$0x19400] =	vst v63  }
0x78: {  	_ =	swait.ge [sflag:s26], $0x50  }
0x79: {  	[sflag:s26] =	ssyncset.done $0x0  }
0x7a: {  	[sflag:s26] =	ssyncadd.s32 $0xFFFFFFB0  }
0x7b: {  	[tilespmem:s14], [sflag:$0xA] =	stream.indirect.gather [hbm4b:s4+s11], $0x80, s7, s11, $0xb8;
	[tilespmem:$0x19400] =	vst v63  }
0x7c: {  	_ =	swait.ge [sflag:s15], $0x2800  }
0x7d: {  	[sflag:s15] =	ssyncset.done $0x0  }
0x7e: {  	[sflag:s15] =	ssyncadd.s32 $0xFFFFD800  }
0x7f: {  	_ =	swait.ge [sflag:s9], $0x50  }
0x80: {  	[sflag:s9] =	ssyncset.done $0x0  }
0x81: {  	s6 =	simm.s32 $0x300;
	[sflag:s9] =	ssyncadd.s32 $0xFFFFFFB0  }
0x82: {  	[spmem:s2] =	stream.indirect.scatter.add.f32 [tilespmem:s12], [sflag:$0xB], $0x80, s6, s11, $0xb8;
	[tilespmem:$0x19400] =	vst v63  }
0x83: {  	_ =	swait.ge [sflag:s28], $0x2800  }
0x84: {  	[sflag:s28] =	ssyncset.done $0x0  }
0x85: {  	s1 =	sadd.s32 @!p0 s0, s23;
	s6 =	simm.s32 @!p0 $0x100;
	[sflag:s28] =	ssyncadd.s32 $0xFFFFD800  }
0x86: {  	[tilespmem:s6], [sflag:$0x3] =	stream.linear.gather @!p0 [hbm4b:s1+s5], $0x50, $0x38;
	[tilespmem:$0x19400] =	vst v63  }
0x87: {  	s1 =	sadd.s32 @!p0 s0, s22;
	s6 =	simm.s32 @!p0 $0x300  }
0x88: {  	[tilespmem:s6], [sflag:$0x7] =	stream.linear.gather @!p0 [hbm4b:s1+s5], $0x50, $0x38;
	[tilespmem:$0x19400] =	vst v63  }
0x89: {  	_ =	swait.ge [sflag:s10], $0x50  }
0x8a: {  	[sflag:s10] =	ssyncset.done $0x0  }
0x8b: {  	[sflag:s10] =	ssyncadd.s32 $0xFFFFFFB0  }
0x8c: {  	[tilespmem:s12], [sflag:$0x9] =	stream.indirect.gather [hbm4b:s4+s11], $0x80, s3, s11, $0xb8;
	[tilespmem:$0x19400] =	vst v63  }
0x8d: {  	_ =	swait.ge [sflag:s18], $0x2800  }
0x8e: {  	[sflag:s18] =	ssyncset.done $0x0  }
0x8f: {  	[sflag:s18] =	ssyncadd.s32 $0xFFFFD800  }
0x90: {  	_ =	swait.ge [sflag:s30], $0x50  }
0x91: {  	[sflag:s30] =	ssyncset.done $0x0  }
.Ltmp2:
0x92: {  	[sflag:s30] =	ssyncadd.s32 $0xFFFFFFB0;
	(pc) =	sbr.rel @p0 .LBB2_4-.Ltmp2, $4  }
0x93: {  	[spmem:s2] =	stream.indirect.scatter.add.f32 [tilespmem:s14], [sflag:$0xB], $0x80, s8, s11, $0xb8;
	[tilespmem:$0x19400] =	vst v63  }
0x94: {  	_ =	swait.ge [sflag:s28], $0x2800  }
0x95: {  	[sflag:s28] =	ssyncset.done $0x0  }
0x96: {  	[sflag:s28] =	ssyncadd.s32 $0xFFFFD800  }
0x97: {  	s1 =	rddreg [dreg:$0x11]  }
0x98: {  	s5 =	rddreg [dreg:$0x10];
	s1 =	sadd.s32 s0, s1  }
0x99: {  	[tilespmem:s7], [sflag:$0x4] =	stream.linear.gather [hbm4b:s1+s3], $0x50, $0x38;
	[tilespmem:$0x19400] =	vst v63  }
0x9a: {  	s1 =	sadd.s32 s0, s5  }
0x9b: {  	[tilespmem:s8], [sflag:$0x8] =	stream.linear.gather [hbm4b:s1+s3], $0x50, $0x38;
	[tilespmem:$0x19400] =	vst v63  }
.Ltmp3:
0x9c: {  	_ = 	snop;
	(pc) =	sbr.rel .LBB2_2-.Ltmp3, $4  }
0x9d: {  	_ =	swait.ge [sflag:s13], $0x50  }
0x9e: {  	s6 =	simm.s32 $0x80;
	[sflag:s13] =	ssyncset.done $0x0  }
0x9f: {  	s31 =	sadd.s32 $0x140, s31;
	s0 =	sadd.s32 $0x28, s0;
	[sflag:s13] =	ssyncadd.s32 $0xFFFFFFB0  }
0xa0: {  	[tilespmem:s14], [sflag:$0xA] =	stream.indirect.gather [hbm4b:s4+s11], $0x80, s6, s11, $0xb8;
	[tilespmem:$0x19400] =	vst v63  }
.LBB2_5:
0xa1: {  	_ =	sfence.sel $0x180000  }
0xa2: {  	[bflag:$0x0] =	sbarrier.arrive $0xFFFF  }
0xa3: {  	_ =	strace $0x9000004D  }
0xa4: {  	s0 =	stileid.u32;
	[bflag:$0x2] =	sbarrier.arrive $0xFFFF  }
0xa5: {  	p0 =	sne.s32 s0, $0x0;
	s0 =	rddreg [dreg:$0x2]  }
0xa6: {  	s0 =	sadd.s32 @!p0 $0x100000, s0  }
0xa7: {  	[sflag:s0] =	ssyncadd.tile.s32 @!p0 $0x1;
	_ =	shalt  }
.Lfunc_end2:
_tile_overlayer_lowered:
.L_overlay_start_2:
0xa8: {  	(tag) =	ssettag $0x2  }
0xa9: {  	s0 =	rddreg [dreg:$0x0];
	s2 =	stileid.u32  }
0xaa: {  	s1 =	rddreg [dreg:$0x1];
	p0 =	sne.s32 s2, $0x0  }
0xab: {  	s3 =	rddreg [dreg:$0x2];
	[bflag:$0x3] =	sbarrier.arrive $0xFFFF;
	s2 =	simm.s32 @!p0 $0x1C0B  }
0xac: {  	[timem:s3], [sflag:s2] =	dma.local @!p0 [hbm:s0], s1  }
0xad: {  	s0 =	simm.s32 @!p0 $0xB  }
0xae: {  	_ =	swait.ge @!p0 [sflag:s0], s1  }
0xaf: {  	s1 =	ssub.s32 @!p0 $0x0, s1;
	[sflag:s0] =	ssyncset.done @!p0 $0x0  }
0xb0: {  	[sflag:s0] =	ssyncadd.s32 @!p0 s1  }
0xb1: {  	[bflag:$0x3] =	sbarrier.arrive $0xFFFF  }
0xb2: {  	_ =	shalt  }

// kernel: kernel.8.cloned.1.call-start
scs
__scs_entry_jumppad:
0x0: {  	(pc) =	sbr.rel $0x88, $3  }
0x1: {  	(tag) =	ssettag $0x0;
	lr =	simm.s32 $0x1  }
0x2: {  	[smem:$0x3F96] =	sst lr;
	_ =	strace $0xD0000000  }
0x3: {  	_ = 	snop  }
0x4: {  	_ = 	snop  }
0x5: {  	_ = 	snop  }
0x6: {  	_ = 	snop  }
0x7: {  	_ = 	snop  }
__scs_overlays_trampoline_lowered:
0x8: {  	[smem:$0x3FA5] =	sst s0  }
0x9: {  	[smem:$0x3FA6] =	sst s1  }
0xa: {  	[smem:$0x3FA7] =	sst s2  }
0xb: {  	[smem:$0x3FA8] =	sst s3  }
0xc: {  	[smem:$0x3FA9] =	sst s4  }
0xd: {  	[smem:$0x3FAA] =	sst s5  }
0xe: {  	[smem:$0x3FAB] =	sst s6  }
0xf: {  	[smem:$0x3FAC] =	sst s7  }
0x10: {  	[smem:$0x3FAD] =	sst s8  }
0x11: {  	[smem:$0x3FAE] =	sst s9;
	s0 =	simm.s32 @!p0 $0x0  }
0x12: {  	s1 =	sld [smem:$0x3F94];
	s0 =	simm.s32 @p0 $0x1  }
0x13: {  	[smem:$0x3FAF] =	sst s0;
	s0 =	simm.s32 @!p1 $0x0  }
0x14: {  	s2 =	sld [smem:$0x3F93];
	s0 =	simm.s32 @p1 $0x1  }
0x15: {  	[smem:$0x3FB0] =	sst s0;
	s0 =	simm.s32 @!p2 $0x0  }
0x16: {  	s3 =	sld [smem:$0x3FDB];
	s0 =	simm.s32 @p2 $0x1  }
0x17: {  	s4 =	simm.s32 $0x1BF5;
	[smem:$0x3FB2] =	sst s0  }
0x18: {  	s0 =	sld [smem:$0x3F95];
	_ =	swait.ge [sflag:s4], $0x0  }
0x19: {  	s7 =	sld [smem:$0x3F96]  }
0x1a: {  	s8 =	sadd.s32 $0xFFFFE003, lr  }
0x1b: {  	s9 =	sadd.s32 $0xFFFFFEF7, lr;
	s5 =	simm.s32 $0xFFFFFFFF;
	p2 =	slt.u32 s8, $0xFFFFF086  }
0x1c: {  	p1 =	slt.u32 s9, $0xF7A;
	s5 =	simm.s32 @!p2 $0x0  }
0x1d: {  	s5 =	simm.s32 @p1 $0x1;
	p0 =	seq.s32 s7, s2  }
0x1e: {  	s7 =	smul.u32 @!p0 $0xF7A, s2;
	p2 =	seq.s32 @!p0 s5, $0x0  }
0x1f: {  	s9 =	smul.u32 $0xF7A, s1;
	s8 =	simm.s32 @!p0 $0x1BF5;
	p2 =	por !p2, p0  }
0x20: {  	[sflag:s8] =	ssyncset.s32 @!p0 $0xFFFFF086;
	s6 =	sadd.s32 @!p0 s3, s7;
	s7 =	simm.s32 @!p0 $0x108  }
0x21: {  	s3 =	sadd.s32 s3, s9;
	s6 =	sadd.s32 @!p0 $0x88, s6;
	s7 =	simm.s32 @p2 $0x1082  }
0x22: {  	[simem:s7], [sflag:s8] =	dma.local @!p0 [hbm:s6], $0xF7A  }
0x23: {  	s9 =	sor.u32 $0xD0000000, s2;
	s6 =	simm.s32 $0x108;
	_ =	swait.ge @!p0 [sflag:s8], $0x0  }
0x24: {  	s3 =	sadd.s32 $0x88, s3;
	s6 =	simm.s32 @!p1 $0x1082;
	[sflag:s4] =	ssyncset.s32 $0xFFFFF086  }
0x25: {  	[simem:s6], [sflag:s4] =	dma.local [hbm:s3], $0xF7A  }
0x26: {  	[smem:$0x3F96] =	sst s1;
	(tag) =	ssettag s2;
	_ =	strace s9  }
0x27: {  	s1 =	sld [smem:$0x3FA6]  }
0x28: {  	s2 =	sld [smem:$0x3FA7]  }
0x29: {  	s4 =	sld [smem:$0x3FA9]  }
0x2a: {  	p0 =	seq.s32 s5, $0x0;
	s5 =	sld [smem:$0x3FAA]  }
0x2b: {  	s6 =	sld [smem:$0x3FAB]  }
0x2c: {  	s7 =	sld [smem:$0x3FAC]  }
0x2d: {  	s3 =	simm.s32 $0x108;
	s8 =	sld [smem:$0x3FAD]  }
0x2e: {  	s3 =	simm.s32 @!p0 $0x1082;
	s9 =	sld [smem:$0x3FAE]  }
0x2f: {  	lr =	sadd.s32 s0, s3;
	s0 =	sld [smem:$0x3FA5]  }
0x30: {  	s3 =	sld [smem:$0x3FA8]  }
0x31: {  	[smem:$0x3FB1] =	sst s10  }
0x32: {  	s10 =	sld [smem:$0x3FAF];
	_ =	sdelay $0x3  }
0x33: {  	p0 =	seq.s32 s10, $0x1;
	s10 =	sld [smem:$0x3FB1];
	_ =	sdelay $0x3  }
0x34: {  	[smem:$0x3FB1] =	sst s10  }
0x35: {  	s10 =	sld [smem:$0x3FB0];
	_ =	sdelay $0x3  }
0x36: {  	p1 =	seq.s32 s10, $0x1;
	s10 =	sld [smem:$0x3FB1];
	_ =	sdelay $0x3  }
0x37: {  	[smem:$0x3FB1] =	sst s10  }
0x38: {  	s10 =	sld [smem:$0x3FB2]  }
0x39: {  	_ = 	snop;
	(pc) =	sbr.ind lr, $3  }
0x3a: {  	_ = 	snop  }
0x3b: {  	_ = 	snop  }
0x3c: {  	p2 =	seq.s32 s10, $0x1;
	s10 =	sld [smem:$0x3FB1]  }
0x3d: {  	_ =	shalt  }
0x3e: {  	_ =	shalt  }
0x3f: {  	_ =	shalt  }
0x40: {  	_ =	shalt  }
0x41: {  	_ =	shalt  }
0x42: {  	_ =	shalt  }
0x43: {  	_ =	shalt  }
0x44: {  	_ =	shalt  }
0x45: {  	_ =	shalt  }
0x46: {  	_ =	shalt  }
0x47: {  	_ =	shalt  }
0x48: {  	_ =	shalt  }
0x49: {  	_ =	shalt  }
0x4a: {  	_ =	shalt  }
0x4b: {  	_ =	shalt  }
0x4c: {  	_ =	shalt  }
0x4d: {  	_ =	shalt  }
0x4e: {  	_ =	shalt  }
0x4f: {  	_ =	shalt  }
0x50: {  	_ =	shalt  }
0x51: {  	_ =	shalt  }
0x52: {  	_ =	shalt  }
0x53: {  	_ =	shalt  }
0x54: {  	_ =	shalt  }
0x55: {  	_ =	shalt  }
0x56: {  	_ =	shalt  }
0x57: {  	_ =	shalt  }
0x58: {  	_ =	shalt  }
0x59: {  	_ =	shalt  }
0x5a: {  	_ =	shalt  }
0x5b: {  	_ =	shalt  }
0x5c: {  	_ =	shalt  }
0x5d: {  	_ =	shalt  }
0x5e: {  	_ =	shalt  }
0x5f: {  	_ =	shalt  }
0x60: {  	_ =	shalt  }
0x61: {  	_ =	shalt  }
0x62: {  	_ =	shalt  }
0x63: {  	_ =	shalt  }
0x64: {  	_ =	shalt  }
0x65: {  	_ =	shalt  }
0x66: {  	_ =	shalt  }
0x67: {  	_ =	shalt  }
0x68: {  	_ =	shalt  }
0x69: {  	_ =	shalt  }
0x6a: {  	_ =	shalt  }
0x6b: {  	_ =	shalt  }
0x6c: {  	_ =	shalt  }
0x6d: {  	_ =	shalt  }
0x6e: {  	_ =	shalt  }
0x6f: {  	_ =	shalt  }
0x70: {  	_ =	shalt  }
0x71: {  	_ =	shalt  }
0x72: {  	_ =	shalt  }
0x73: {  	_ =	shalt  }
0x74: {  	_ =	shalt  }
0x75: {  	_ =	shalt  }
0x76: {  	_ =	shalt  }
0x77: {  	_ =	shalt  }
0x78: {  	_ =	shalt  }
0x79: {  	_ =	shalt  }
0x7a: {  	_ =	shalt  }
0x7b: {  	_ =	shalt  }
0x7c: {  	_ =	shalt  }
0x7d: {  	_ =	shalt  }
0x7e: {  	_ =	shalt  }
0x7f: {  	_ =	shalt  }
0x80: {  	_ =	shalt  }
0x81: {  	_ =	shalt  }
0x82: {  	_ =	shalt  }
0x83: {  	_ =	shalt  }
0x84: {  	_ =	shalt  }
0x85: {  	_ =	shalt  }
0x86: {  	_ =	shalt  }
0x87: {  	_ =	shalt  }
.Lfunc_end0:
.L_simem_size_0:
called_computation_lowered:
.L_overlay_start_0:
0x88: {  	s2 =	sld [smem:$0x3FD9]  }
0x89: {  	s3 =	sld [smem:$0x3FFE];
	_ =	sdelay $0x1  }
0x8a: {  	s1 =	srdreg.scid  }
0x8b: {  	s0 =	sand.u32 $0x1, s1  }
0x8c: {  	s16 =	sshll.u32 s0, $0xA;
	s2 =	sadd.s32 s3, s2  }
0x8d: {  	s2 =	sadd.s32 s2, s16  }
0x8e: {  	[smem:$0x3FBD] =	sst s2  }
0x8f: {  	_ = 	snop  }
0x90: {  	(tm) =	ssettm $0x1  }
0x91: {  	s17 =	sld [smem:$0x3FFB];
	_ =	sdelay $0x3  }
0x92: {  	_ =	strace s17  }
0x93: {  	s2 =	sld [smem:$0x3FFC];
	_ =	sdelay $0x3  }
0x94: {  	_ =	strace s2  }
0x95: {  	s2 =	sld [smem:$0x3FFD];
	_ =	sdelay $0x3  }
0x96: {  	_ =	strace s2  }
0x97: {  	_ =	strace $0x8FFFFFFF  }
0x98: {  	s18 =	sld [smem:$0x3FDB];
	_ =	sdelay $0x1  }
0x99: {  	s19 =	simm.s32 $_scs_section_size  }
0x9a: {  	s4 =	simm.s32 $_size__tile_overlayer_lowered;
	s5 =	simm.s32 $_tile_overlayer_lowered  }
0x9b: {  	s22 =	simm.s32 $0x1BFF;
	s21 =	sshll.u32 s5, $0x1;
	s2 =	sadd.s32 s19, s18  }
0x9c: {  	s6 =	simm.s32 $0x0;
	s20 =	sshll.u32 s4, $0x1;
	s4 =	sadd.s32 s21, s2  }
0x9d: {  	[timem:s6], [sflag:s22] =	dma.local [hbm:s4], s20  }
0x9e: {  	_ =	swait.ge [sflag:s22], s20  }
0x9f: {  	s3 =	ssub.s32 $0x0, s20;
	[sflag:s22] =	ssyncset.done $0x0  }
0xa0: {  	[sflag:s22] =	ssyncadd.s32 s3;
	_ =	sdelay $0x1  }
0xa1: {  	s23 =	simm.s32 $0x1B8B  }
0xa2: {  	_ =	swait.ge [sflag:s23], $0x1  }
0xa3: {  	[sflag:s23] =	ssyncset.done $0x0  }
0xa4: {  	s25 =	simm.s32 $0x1B8E;
	s24 =	sld [smem:$0x3FFE];
	[sflag:s23] =	ssyncadd.s32 $0xFFFFFFFF  }
0xa5: {  	s26 =	simm.s32 $execute0_lowered;
	[smem:$0x3FD2] =	sst s25  }
0xa6: {  	s4 =	sshll.u32 s26, $0x1;
	_ =	strace $0x80000046;
	[dreg:$0x1] =	wrdreg $0xFFFFFFFF  }
0xa7: {  	s28 =	simm.s32 $_size_execute0_lowered;
	s2 =	sadd.s32 s2, s4;
	[dreg:$0x0] =	wrdreg $0x0  }
0xa8: {  	s4 =	sshll.u32 s28, $0x1;
	[dreg:$0x2] =	wrdreg s2  }
0xa9: {  	[dreg:$0x3] =	wrdreg s4  }
0xaa: {  	[dreg:$0x4] =	wrdreg $0xC0  }
0xab: {  	_ =	task [dreg:s6], $0x5FFFF  }
0xac: {  	[dreg:$0x1] =	wrdreg $0xFFFFFFFF  }
0xad: {  	[dreg:$0x0] =	wrdreg $0x60  }
0xae: {  	[dreg:$0x2] =	wrdreg s24  }
0xaf: {  	[dreg:$0x3] =	wrdreg $0x98000  }
0xb0: {  	[dreg:$0x4] =	wrdreg $0x9  }
0xb1: {  	_ =	task.clear_ibuf [dreg:s6], $0x5FFFF;
	_ =	strace $0x90000046  }
0xb2: {  	s29 =	simm.s32 $0x9;
	_ =	strace $0x80000048  }
0xb3: {  	_ =	swait.ge [sflag:s29], $0x1  }
0xb4: {  	[sflag:s29] =	ssyncadd.s32 $0xFFFFFFFF  }
0xb5: {  	_ =	strace $0x90000048  }
0xb6: {  	_ =	sfence  }
0xb7: {  	s30 =	sld [smem:$0x0];
	_ =	sdelay $0x2  }
0xb8: {  	s31 =	sshll.u32 s1, $0xD;
	s1 =	sshrl.u32 s1, $0x2  }
0xb9: {  	s3 =	sand.u32 $0x4000, s31;
	s1 =	sadd.s32 s1, s30  }
0xba: {  	s0 =	sor.u32 s3, s0;
	s1 =	sshll.u32 s1, $0x11  }
0xbb: {  	s0 =	sor.u32 s1, s0  }
0xbc: {  	s0 =	sadd.s32 $0x8F2B, s0  }
0xbd: {  	[sflag:s0] =	ssyncadd.remote.s32 $0x1  }
0xbe: {  	_ =	sfence.sel $0xFFFF  }
0xbf: {  	[dreg:$0x0] =	wrdreg $0xFFFFFFFF;
	(pc) =	sbr.abs _section_cstart, $3  }
0xc0: {  	[dreg:$0x1] =	wrdreg $0xFFFFFFFF  }
0xc1: {  	_ =	task.clear_ibuf [dreg:s6], $0x2FFFF;
	_ =	strace $0x9FFFFFFF  }
0xc2: {  	(tm) =	ssettm $0x7FFFFFFF  }
0xc3: {  	_ =	shalt  }
tec
execute0_lowered:
.L_overlay_start_1:
0x0: {  	(tag) =	ssettag $0x1  }
0x1: {  	s6 =	rddreg [dreg:$0x0]  }
0x2: {  	s0 =	srdreg.scid;
	s2 =	rddreg [dreg:$0x1]  }
0x3: {  	s3 =	simm.s32 $0x0;
	s5 =	sand.u32 $0x1, s0;
	s0 =	stileid.u32  }
0x4: {  	s14 =	simm.s32 $0x1;
	s15 =	simm.s32 $0x0;
	s7 =	smul.u32 $0x14000, s0  }
0x5: {  	[smem:$0x7FF] =	sst s3;
	s1 =	sshll.u32 s5, $0x4;
	s8 =	smul.u32 $0x140000, s5  }
0x6: {  	s5 =	ssub.s32 $0x2, s5;
	s28 =	smul.u32 $0x50000, s0;
	s1 =	sor.u32 s0, s1  }
0x7: {  	s31 =	sshll.u32 s0, $0x6;
	s29 =	sshrl.u32 s5, $0x1;
	s4 =	smul.u32 $0xC80, s1  }
0x8: {  	s1 =	rddreg [dreg:$0x2];
	_ =	strace $0x80000047;
	s10 =	sshrl.u32 s7, $0x3  }
0x9: {  	s7 =	sadd.s32 s7, s8;
	s12 =	ssub.s32 s5, s29;
	s30 =	sshrl.u32 s28, $0x2  }
0xa: {  	s7 =	sshrl.u32 s7, $0x3;
	s10 =	sadd.s32 s10, s6;
	s13 =	sadd.s32 s30, s2  }
0xb: {  	s9 =	sadd.s32 s4, s6;
	s4 =	sadd.s32 $0x38C00, s6;
	s11 =	sadd.s32 s7, s6  }
0xc: {  	s5 =	sadd.s32 $0x39400, s10;
	s6 =	sor.u32 $0x1C02, s31;
	s10 =	sshrl.u32 s13, $0x3  }
0xd: {  	s13 =	simm.s32 $0x64;
	s7 =	sadd.s32 $0x1FC00, s9;
	s8 =	sadd.s32 $0x61400, s11  }
0xe: {  	s9 =	smax.u32 s12, $0x1;
	s11 =	simm.s32 $0x2;
	s12 =	simm.s32 $0x6400  }
.LBB2_1:
0xf: {  	[spmem:s10], [sflag:s6] =	dma.local [hbm:s5], $0x2800  }
0x10: {  	_ =	swait.ge [sflag:s11], $0x2800  }
0x11: {  	[sflag:s11] =	ssyncset.done $0x0  }
0x12: {  	[sflag:s11] =	ssyncadd.s32 $0xFFFFD800  }
0x13: {  	[tilespmem:s12], [sflag:$0x2] =	stream.linear.gather [hbm4b:s4+s3], $0x3200, $0x38;
	[tilespmem:$0x1D800] =	vst v63  }
0x14: {  	_ =	swait.ge [sflag:s11], $0x3200  }
0x15: {  	[sflag:s11] =	ssyncset.done $0x0  }
0x16: {  	[sflag:s11] =	ssyncadd.s32 $0xFFFFCE00  }
0x17: {  	[tilespmem:s3], [sflag:$0x2] =	stream.linear.gather [hbm4b:s7+s3], $0x6400, $0x38;
	[tilespmem:$0x1D800] =	vst v63  }
0x18: {  	_ =	swait.ge [sflag:s11], $0x6400  }
0x19: {  	[sflag:s11] =	ssyncset.done $0x0  }
0x1a: {  	[sflag:s11] =	ssyncadd.s32 $0xFFFF9C00  }
0x1b: {  	s16 =	simm.s32 $0x0;
	[bflag:$0x0] =	sbarrier.arrive $0xFFFF  }
0x1c: {  	[spmem:s2] =	stream.indirect.scatter.add.f32 [tilespmem:s12], [sflag:$0x1], $0x80, s16, s13, $0xb8;
	[tilespmem:$0x1D800] =	vst v63  }
0x1d: {  	s24 =	simm.s32 $0x80  }
0x1e: {  	[spmem:s2] =	stream.indirect.scatter.add.f32 [tilespmem:s12], [sflag:$0x1], $0x80, s24, s13, $0xb8;
	[tilespmem:$0x1D800] =	vst v63  }
0x1f: {  	s25 =	simm.s32 $0x100  }
0x20: {  	[spmem:s2] =	stream.indirect.scatter.add.f32 [tilespmem:s12], [sflag:$0x1], $0x80, s25, s13, $0xb8;
	[tilespmem:$0x1D800] =	vst v63  }
0x21: {  	s26 =	simm.s32 $0x180  }
0x22: {  	[spmem:s2] =	stream.indirect.scatter.add.f32 [tilespmem:s12], [sflag:$0x1], $0x80, s26, s13, $0xb8;
	[tilespmem:$0x1D800] =	vst v63  }
0x23: {  	s28 =	simm.s32 $0x200  }
0x24: {  	[spmem:s2] =	stream.indirect.scatter.add.f32 [tilespmem:s12], [sflag:$0x1], $0x80, s28, s13, $0xb8;
	[tilespmem:$0x1D800] =	vst v63  }
0x25: {  	s29 =	simm.s32 $0x280  }
0x26: {  	[spmem:s2] =	stream.indirect.scatter.add.f32 [tilespmem:s12], [sflag:$0x1], $0x80, s29, s13, $0xb8;
	[tilespmem:$0x1D800] =	vst v63  }
0x27: {  	s30 =	simm.s32 $0x300  }
0x28: {  	[spmem:s2] =	stream.indirect.scatter.add.f32 [tilespmem:s12], [sflag:$0x1], $0x80, s30, s13, $0xb8;
	[tilespmem:$0x1D800] =	vst v63  }
0x29: {  	s31 =	simm.s32 $0x380  }
0x2a: {  	[spmem:s2] =	stream.indirect.scatter.add.f32 [tilespmem:s12], [sflag:$0x1], $0x80, s31, s13, $0xb8;
	[tilespmem:$0x1D800] =	vst v63  }
0x2b: {  	_ =	swait.ge [sflag:s14], $0x3200  }
0x2c: {  	[sflag:s14] =	ssyncset.done $0x0  }
0x2d: {  	[sflag:s14] =	ssyncadd.s32 $0xFFFFCE00  }
0x2e: {  	_ =	swait.ge [sflag:s14], $0x3200  }
0x2f: {  	[sflag:s14] =	ssyncset.done $0x0  }
0x30: {  	[sflag:s14] =	ssyncadd.s32 $0xFFFFCE00  }
0x31: {  	_ =	swait.ge [sflag:s14], $0x3200  }
0x32: {  	[sflag:s14] =	ssyncset.done $0x0  }
0x33: {  	[sflag:s14] =	ssyncadd.s32 $0xFFFFCE00  }
0x34: {  	_ =	swait.ge [sflag:s14], $0x3200  }
0x35: {  	[sflag:s14] =	ssyncset.done $0x0  }
0x36: {  	[sflag:s14] =	ssyncadd.s32 $0xFFFFCE00  }
0x37: {  	_ =	swait.ge [sflag:s14], $0x3200  }
0x38: {  	[sflag:s14] =	ssyncset.done $0x0  }
0x39: {  	[sflag:s14] =	ssyncadd.s32 $0xFFFFCE00  }
0x3a: {  	_ =	swait.ge [sflag:s14], $0x3200  }
0x3b: {  	[sflag:s14] =	ssyncset.done $0x0  }
0x3c: {  	[sflag:s14] =	ssyncadd.s32 $0xFFFFCE00  }
0x3d: {  	_ =	swait.ge [sflag:s14], $0x3200  }
0x3e: {  	[sflag:s14] =	ssyncset.done $0x0  }
0x3f: {  	[sflag:s14] =	ssyncadd.s32 $0xFFFFCE00  }
0x40: {  	_ =	swait.ge [sflag:s14], $0x3200  }
0x41: {  	s18 =	simm.s32 $0x2000;
	s16 =	simm.s32 $0x1000;
	[sflag:s14] =	ssyncset.done $0x0  }
.LBB2_2:
0x42: {  	s19 =	sshra.s32 s16, $0x2  }
0x43: {  	[sflag:s14] =	ssyncadd.s32 $0xFFFFCE00;
	s16 =	smov.u32 s18;
	s17 =	sadd.s32 $0x1000, s18  }
0x44: {  	[spmem:s2] =	stream.indirect.scatter.add.f32 [tilespmem:s12], [sflag:$0x1], $0x80, s19, s13, $0xb8;
	[tilespmem:$0x1D800] =	vst v63  }
0x45: {  	p0 =	sne.s32 s18, $0x18000;
	s18 =	sadd.s32 $0x80, s19  }
0x46: {  	[spmem:s2] =	stream.indirect.scatter.add.f32 [tilespmem:s12], [sflag:$0x1], $0x80, s18, s13, $0xb8;
	[tilespmem:$0x1D800] =	vst v63  }
0x47: {  	s18 =	sadd.s32 $0x100, s19  }
0x48: {  	[spmem:s2] =	stream.indirect.scatter.add.f32 [tilespmem:s12], [sflag:$0x1], $0x80, s18, s13, $0xb8;
	[tilespmem:$0x1D800] =	vst v63  }
0x49: {  	s18 =	sadd.s32 $0x180, s19  }
0x4a: {  	[spmem:s2] =	stream.indirect.scatter.add.f32 [tilespmem:s12], [sflag:$0x1], $0x80, s18, s13, $0xb8;
	[tilespmem:$0x1D800] =	vst v63  }
0x4b: {  	s18 =	sadd.s32 $0x200, s19  }
0x4c: {  	[spmem:s2] =	stream.indirect.scatter.add.f32 [tilespmem:s12], [sflag:$0x1], $0x80, s18, s13, $0xb8;
	[tilespmem:$0x1D800] =	vst v63  }
0x4d: {  	s18 =	sadd.s32 $0x280, s19  }
0x4e: {  	[spmem:s2] =	stream.indirect.scatter.add.f32 [tilespmem:s12], [sflag:$0x1], $0x80, s18, s13, $0xb8;
	[tilespmem:$0x1D800] =	vst v63  }
0x4f: {  	s18 =	sadd.s32 $0x300, s19  }
0x50: {  	[spmem:s2] =	stream.indirect.scatter.add.f32 [tilespmem:s12], [sflag:$0x1], $0x80, s18, s13, $0xb8;
	[tilespmem:$0x1D800] =	vst v63  }
0x51: {  	s18 =	sadd.s32 $0x380, s19  }
0x52: {  	[spmem:s2] =	stream.indirect.scatter.add.f32 [tilespmem:s12], [sflag:$0x1], $0x80, s18, s13, $0xb8;
	[tilespmem:$0x1D800] =	vst v63  }
0x53: {  	_ =	swait.ge [sflag:s14], $0x3200  }
0x54: {  	[sflag:s14] =	ssyncset.done $0x0  }
0x55: {  	[sflag:s14] =	ssyncadd.s32 $0xFFFFCE00  }
0x56: {  	_ =	swait.ge [sflag:s14], $0x3200  }
0x57: {  	[sflag:s14] =	ssyncset.done $0x0  }
0x58: {  	[sflag:s14] =	ssyncadd.s32 $0xFFFFCE00  }
0x59: {  	_ =	swait.ge [sflag:s14], $0x3200  }
0x5a: {  	[sflag:s14] =	ssyncset.done $0x0  }
0x5b: {  	[sflag:s14] =	ssyncadd.s32 $0xFFFFCE00  }
0x5c: {  	_ =	swait.ge [sflag:s14], $0x3200  }
0x5d: {  	[sflag:s14] =	ssyncset.done $0x0  }
0x5e: {  	[sflag:s14] =	ssyncadd.s32 $0xFFFFCE00  }
0x5f: {  	_ =	swait.ge [sflag:s14], $0x3200  }
0x60: {  	[sflag:s14] =	ssyncset.done $0x0  }
0x61: {  	[sflag:s14] =	ssyncadd.s32 $0xFFFFCE00  }
0x62: {  	_ =	swait.ge [sflag:s14], $0x3200  }
0x63: {  	[sflag:s14] =	ssyncset.done $0x0  }
0x64: {  	[sflag:s14] =	ssyncadd.s32 $0xFFFFCE00  }
.Ltmp0:
0x65: {  	_ =	swait.ge [sflag:s14], $0x3200;
	(pc) =	sbr.rel @p0 .LBB2_2-.Ltmp0, $4  }
0x66: {  	[sflag:s14] =	ssyncset.done $0x0  }
0x67: {  	[sflag:s14] =	ssyncadd.s32 $0xFFFFCE00  }
0x68: {  	_ =	swait.ge [sflag:s14], $0x3200  }
0x69: {  	s18 =	smov.u32 s17;
	[sflag:s14] =	ssyncset.done $0x0  }
0x6a: {  	s16 =	sshra.s32 s16, $0x2;
	[sflag:s14] =	ssyncadd.s32 $0xFFFFCE00  }
0x6b: {  	[spmem:s2] =	stream.indirect.scatter.add.f32 [tilespmem:s12], [sflag:$0x1], $0x80, s16, s13, $0xb8;
	[tilespmem:$0x1D800] =	vst v63  }
0x6c: {  	s17 =	sadd.s32 $0x80, s16  }
0x6d: {  	[spmem:s2] =	stream.indirect.scatter.add.f32 [tilespmem:s12], [sflag:$0x1], $0x80, s17, s13, $0xb8;
	[tilespmem:$0x1D800] =	vst v63  }
0x6e: {  	s26 =	sadd.s32 $0x100, s16  }
0x6f: {  	[spmem:s2] =	stream.indirect.scatter.add.f32 [tilespmem:s12], [sflag:$0x1], $0x80, s26, s13, $0xb8;
	[tilespmem:$0x1D800] =	vst v63  }
0x70: {  	s28 =	sadd.s32 $0x180, s16  }
0x71: {  	[spmem:s2] =	stream.indirect.scatter.add.f32 [tilespmem:s12], [sflag:$0x1], $0x80, s28, s13, $0xb8;
	[tilespmem:$0x1D800] =	vst v63  }
0x72: {  	s29 =	sadd.s32 $0x200, s16  }
0x73: {  	[spmem:s2] =	stream.indirect.scatter.add.f32 [tilespmem:s12], [sflag:$0x1], $0x80, s29, s13, $0xb8;
	[tilespmem:$0x1D800] =	vst v63  }
0x74: {  	s30 =	sadd.s32 $0x280, s16  }
0x75: {  	[spmem:s2] =	stream.indirect.scatter.add.f32 [tilespmem:s12], [sflag:$0x1], $0x80, s30, s13, $0xb8;
	[tilespmem:$0x1D800] =	vst v63  }
0x76: {  	s31 =	sadd.s32 $0x300, s16  }
0x77: {  	[spmem:s2] =	stream.indirect.scatter.add.f32 [tilespmem:s12], [sflag:$0x1], $0x80, s31, s13, $0xb8;
	[tilespmem:$0x1D800] =	vst v63  }
0x78: {  	s16 =	sadd.s32 $0x380, s16  }
0x79: {  	[spmem:s2] =	stream.indirect.scatter.add.f32 [tilespmem:s12], [sflag:$0x1], $0x80, s16, s13, $0xb8;
	[tilespmem:$0x1D800] =	vst v63  }
0x7a: {  	_ =	swait.ge [sflag:s14], $0x3200  }
0x7b: {  	[sflag:s14] =	ssyncset.done $0x0  }
0x7c: {  	[sflag:s14] =	ssyncadd.s32 $0xFFFFCE00  }
0x7d: {  	_ =	swait.ge [sflag:s14], $0x3200  }
0x7e: {  	[sflag:s14] =	ssyncset.done $0x0  }
0x7f: {  	[sflag:s14] =	ssyncadd.s32 $0xFFFFCE00  }
0x80: {  	_ =	swait.ge [sflag:s14], $0x3200  }
0x81: {  	[sflag:s14] =	ssyncset.done $0x0  }
0x82: {  	[sflag:s14] =	ssyncadd.s32 $0xFFFFCE00  }
0x83: {  	_ =	swait.ge [sflag:s14], $0x3200  }
0x84: {  	[sflag:s14] =	ssyncset.done $0x0  }
0x85: {  	[sflag:s14] =	ssyncadd.s32 $0xFFFFCE00  }
0x86: {  	_ =	swait.ge [sflag:s14], $0x3200  }
0x87: {  	[sflag:s14] =	ssyncset.done $0x0  }
0x88: {  	[sflag:s14] =	ssyncadd.s32 $0xFFFFCE00  }
0x89: {  	_ =	swait.ge [sflag:s14], $0x3200  }
0x8a: {  	[sflag:s14] =	ssyncset.done $0x0  }
0x8b: {  	[sflag:s14] =	ssyncadd.s32 $0xFFFFCE00  }
0x8c: {  	_ =	swait.ge [sflag:s14], $0x3200  }
0x8d: {  	[sflag:s14] =	ssyncset.done $0x0  }
0x8e: {  	[sflag:s14] =	ssyncadd.s32 $0xFFFFCE00  }
0x8f: {  	_ =	swait.ge [sflag:s14], $0x3200  }
0x90: {  	s15 =	sadd.s32 $0x1, s15;
	[sflag:s14] =	ssyncset.done $0x0  }
0x91: {  	p0 =	sne.s32 s15, s9;
	[sflag:s14] =	ssyncadd.s32 $0xFFFFCE00  }
.Ltmp1:
0x92: {  	[bflag:$0x0] =	sbarrier.arrive $0xFFFF;
	(pc) =	sbr.rel @p0 .LBB2_1-.Ltmp1, $4  }
0x93: {  	[hbm:s8], [sflag:s6] =	dma.local [spmem:s10], $0x2800  }
0x94: {  	_ =	swait.ge [sflag:s11], $0x2800  }
0x95: {  	[sflag:s11] =	ssyncset.done $0x0  }
0x96: {  	[sflag:s11] =	ssyncadd.s32 $0xFFFFD800  }
0x97: {  	_ =	sfence.sel $0x180000  }
0x98: {  	[bflag:$0x0] =	sbarrier.arrive $0xFFFF  }
0x99: {  	p0 =	sne.s32 s0, $0x0;
	_ =	strace $0x90000047  }
0x9a: {  	s0 =	sadd.s32 @!p0 $0x100000, s1;
	[bflag:$0x2] =	sbarrier.arrive $0xFFFF  }
0x9b: {  	[sflag:s0] =	ssyncadd.tile.s32 @!p0 $0x1;
	_ =	shalt  }
.Lfunc_end2:
_tile_overlayer_lowered:
.L_overlay_start_2:
0x9c: {  	(tag) =	ssettag $0x2  }
0x9d: {  	s0 =	rddreg [dreg:$0x0];
	s2 =	stileid.u32  }
0x9e: {  	s1 =	rddreg [dreg:$0x1];
	p0 =	sne.s32 s2, $0x0  }
0x9f: {  	s3 =	rddreg [dreg:$0x2];
	[bflag:$0x3] =	sbarrier.arrive $0xFFFF;
	s2 =	simm.s32 @!p0 $0x1C02  }
0xa0: {  	[timem:s3], [sflag:s2] =	dma.local @!p0 [hbm:s0], s1  }
0xa1: {  	s0 =	simm.s32 @!p0 $0x2  }
0xa2: {  	_ =	swait.ge @!p0 [sflag:s0], s1  }
0xa3: {  	s1 =	ssub.s32 @!p0 $0x0, s1;
	[sflag:s0] =	ssyncset.done @!p0 $0x0  }
0xa4: {  	[sflag:s0] =	ssyncadd.s32 @!p0 s1  }
0xa5: {  	[bflag:$0x3] =	sbarrier.arrive $0xFFFF  }
0xa6: {  	_ =	shalt  }

</sc_bundles>
